<compile_context>
chip_gen: v7x
topology: tpu7x:2x2x1
jax: 0.10.2.dev20260603
libtpu: 0.0.44.dev20260713+nightly
codegen_flags: <defaults>
</compile_context>

<pallas_src>
import functools

import jax
import jax.numpy as jnp
from jax import lax
from jax.experimental import pallas as pl
from jax.experimental.pallas import tpu as pltpu
from jax.experimental.pallas import tpu_sc as plsc

B, L, D = 4096, 50, 64
NC, NS, LANES = 2, 16, 16
NW = NC * NS
BPT = B // NW
NSL = D // LANES
LT = 56
TB = 8

def _sc_body(sids_hbm, cids_hbm, stab_hbm, ctab_hbm, out_hbm, cnt_hbm,
             sid_v, cid_v, sbufA, cbufA, sbufB, cbufB, acc_v, cnt_v,
             semA, semB):
    wid = lax.axis_index("c") * NS + lax.axis_index("s")

    pltpu.sync_copy(sids_hbm.at[wid], sid_v)
    pltpu.sync_copy(cids_hbm.at[wid], cid_v)

    zf = jnp.zeros((LANES,), jnp.float32)
    of = jnp.ones((LANES,), jnp.float32)
    zi = jnp.zeros((LANES,), jnp.int32)

    for k in range(BPT // LANES):
        cnt_v[pl.ds(LANES * k, LANES)] = zf

    def _zero(r, carry):
        for c in range(NSL):
            acc_v[r, pl.ds(LANES * c, LANES)] = zf
        return carry
    lax.fori_loop(0, BPT, _zero, 0)

    def _premask(g, carry):
        for k in range(BPT // LANES):
            sl = pl.ds(LANES * k, LANES)
            nz = sid_v[g, sl] != 0
            cid_v[g, sl] = jnp.where(nz, cid_v[g, sl], zi)
            plsc.addupdate(cnt_v.at[sl], jnp.where(nz, of, zf))
        return carry
    lax.fori_loop(0, L, _premask, 0)

    def _fire(g, sbuf, cbuf, sem):
        pltpu.async_copy(stab_hbm.at[sid_v.at[g]], sbuf, sem)
        pltpu.async_copy(ctab_hbm.at[cid_v.at[g]], cbuf, sem)

    def _drain(g, sbuf, cbuf, sem):
        pltpu.make_async_copy(stab_hbm.at[sid_v.at[g]], sbuf, sem).wait()
        pltpu.make_async_copy(ctab_hbm.at[cid_v.at[g]], cbuf, sem).wait()

    def _accum(sbuf, cbuf):
        def body(r4, carry):
            for dr in range(4):
                r = r4 * 4 + dr
                for c in range(NSL):
                    sl = pl.ds(LANES * c, LANES)
                    plsc.addupdate(acc_v.at[r, sl], sbuf[r, sl] + cbuf[r, sl])
            return carry
        lax.fori_loop(0, BPT // 4, body, 0)

    _fire(0, sbufA, cbufA, semA)

    def _pipe(i, carry):
        g0 = 2 * i
        _fire(g0 + 1, sbufB, cbufB, semB)
        _drain(g0, sbufA, cbufA, semA)
        _accum(sbufA, cbufA)

        @pl.when(g0 + 2 < L)
        def _():
            _fire(g0 + 2, sbufA, cbufA, semA)

        _drain(g0 + 1, sbufB, cbufB, semB)
        _accum(sbufB, cbufB)
        return carry
    lax.fori_loop(0, L // 2, _pipe, 0)

    pltpu.sync_copy(acc_v, out_hbm.at[pl.ds(wid * BPT, BPT), :])
    pltpu.sync_copy(cnt_v, cnt_hbm.at[pl.ds(wid * BPT, BPT)])


@functools.cache
def _sc_pool():
    mesh = plsc.VectorSubcoreMesh(
        core_axis_name="c", subcore_axis_name="s", num_cores=NC, num_subcores=NS
    )
    return pl.kernel(
        _sc_body,
        out_type=[jax.ShapeDtypeStruct((B, D), jnp.float32),
                  jax.ShapeDtypeStruct((B,), jnp.float32)],
        mesh=mesh,
        scratch_types=[
            pltpu.VMEM((LT, BPT), jnp.int32),
            pltpu.VMEM((LT, BPT), jnp.int32),
            pltpu.VMEM((BPT, D), jnp.float32),
            pltpu.VMEM((BPT, D), jnp.float32),
            pltpu.VMEM((BPT, D), jnp.float32),
            pltpu.VMEM((BPT, D), jnp.float32),
            pltpu.VMEM((BPT, D), jnp.float32),
            pltpu.VMEM((BPT,), jnp.float32),
            pltpu.SemaphoreType.DMA,
            pltpu.SemaphoreType.DMA,
        ],
        compiler_params=pltpu.CompilerParams(use_tc_tiling_on_sc=False),
    )


def _tr_body(s_ref, c_ref, st_ref, ct_ref):
    zpad = jnp.zeros((LT - L, BPT), jnp.int32)
    xs = s_ref[...]
    xc = c_ref[...]
    for t in range(TB):
        rs = xs[t * BPT:(t + 1) * BPT, :]
        rc = xc[t * BPT:(t + 1) * BPT, :]
        st_ref[t] = jnp.concatenate([jnp.transpose(rs, (1, 0)), zpad], axis=0)
        ct_ref[t] = jnp.concatenate([jnp.transpose(rc, (1, 0)), zpad], axis=0)


def _tc_head_body(pooled_ref, cnt_ref, sym_ref, lnw_ref, lnb_ref, w_ref,
                  fcb_ref, out_ref):
    s = sym_ref[...]
    mu = (s[:, 0:1] + s[:, 1:2] + s[:, 2:3]) * (1.0 / 3.0)
    d = s - mu
    var = (d[:, 0:1] * d[:, 0:1] + d[:, 1:2] * d[:, 1:2]
           + d[:, 2:3] * d[:, 2:3]) * (1.0 / 3.0)
    inv = lax.rsqrt(var + 1e-5)
    sn = d * inv * lnw_ref[...] + lnb_ref[...]
    pooled = pooled_ref[...] / jnp.maximum(cnt_ref[...], 1.0)
    h = jnp.concatenate([pooled, sn], axis=1)
    acc = lax.dot_general(h, w_ref[...], (((1,), (1,)), ((), ())),
                          preferred_element_type=jnp.float32)
    out_ref[...] = acc + fcb_ref[...]


def kernel(shape_ids, color_ids, sym_feats, shape_table, color_table,
           ln_w, ln_b, fc_w, fc_b):
    nl = fc_w.shape[0]
    sids_t, cids_t = pl.pallas_call(
        _tr_body,
        grid=(NW // TB,),
        in_specs=[pl.BlockSpec((TB * BPT, L), lambda i: (i, 0)),
                  pl.BlockSpec((TB * BPT, L), lambda i: (i, 0))],
        out_specs=[pl.BlockSpec((TB, LT, BPT), lambda i: (i, 0, 0)),
                   pl.BlockSpec((TB, LT, BPT), lambda i: (i, 0, 0))],
        out_shape=[jax.ShapeDtypeStruct((NW, LT, BPT), jnp.int32),
                   jax.ShapeDtypeStruct((NW, LT, BPT), jnp.int32)],
    )(shape_ids.astype(jnp.int32), color_ids.astype(jnp.int32))

    pooled, cnt = _sc_pool()(sids_t, cids_t, shape_table, color_table)

    bb = 1024
    grid = (B // bb,)
    logits = pl.pallas_call(
        _tc_head_body,
        grid=grid,
        in_specs=[
            pl.BlockSpec((bb, D), lambda i: (i, 0)),
            pl.BlockSpec((bb, 1), lambda i: (i, 0)),
            pl.BlockSpec((bb, 3), lambda i: (i, 0)),
            pl.BlockSpec((1, 3), lambda i: (0, 0)),
            pl.BlockSpec((1, 3), lambda i: (0, 0)),
            pl.BlockSpec((nl, D + 3), lambda i: (0, 0)),
            pl.BlockSpec((1, nl), lambda i: (0, 0)),
        ],
        out_specs=pl.BlockSpec((bb, nl), lambda i: (i, 0)),
        out_shape=jax.ShapeDtypeStruct((B, nl), jnp.float32),
    )(pooled, cnt.reshape(B, 1), sym_feats, ln_w.reshape(1, 3),
      ln_b.reshape(1, 3), fc_w, fc_b.reshape(1, nl))
    return logits

# --- scband reference (transcript-rebuilt; emitter-appended) ---
"""Pipeline reference for scband-bag-of-embeddings-38276748542723 (READ-ONLY COPY).

The authoritative reference and input builder live on the scoring server;
editing this copy changes nothing except your own understanding.
"""

import jax, jax.numpy as jnp
import numpy as np

B, L, D = 4096, 50, 64
S_V, C_V, NL = 100000, 100000, 1000


def setup_inputs(seed: int = 0) -> dict:
    key = jax.random.key(seed)
    ks = jax.random.split(key, 8)
    shape_ids = jax.random.randint(ks[0], (B, L), 0, S_V)
    color_ids = jax.random.randint(ks[1], (B, L), 0, C_V)
    sym_feats = jax.random.normal(ks[2], (B, 3), dtype=jnp.float32)
    shape_table = (jax.random.normal(ks[3], (S_V, D), dtype=jnp.float32) * 0.02).at[0].set(0.0)
    color_table = (jax.random.normal(ks[4], (C_V, D), dtype=jnp.float32) * 0.02).at[0].set(0.0)
    ln_w = jnp.ones((3,), dtype=jnp.float32)
    ln_b = jnp.zeros((3,), dtype=jnp.float32)
    fc_w = jax.random.normal(ks[5], (NL, D + 3), dtype=jnp.float32) * 0.02
    fc_b = jnp.zeros((NL,), dtype=jnp.float32)
    return {
        "shape_ids": shape_ids,
        "color_ids": color_ids,
        "sym_feats": sym_feats,
        "shape_table": shape_table,
        "color_table": color_table,
        "ln_w": ln_w,
        "ln_b": ln_b,
        "fc_w": fc_w,
        "fc_b": fc_b,
    }


def reference(shape_ids, color_ids, sym_feats, shape_table, color_table, ln_w, ln_b, fc_w, fc_b):
    # embedding lookups (gather)
    emb = jnp.take(shape_table, shape_ids, axis=0) + jnp.take(color_table, color_ids, axis=0)
    # padding mask (padding_idx = 0)
    mask = shape_ids == 0
    emb = jnp.where(mask[..., None], 0.0, emb)
    denom = jnp.clip(jnp.sum(~mask, axis=1, keepdims=True), 1, None).astype(jnp.float32)
    pooled = jnp.sum(emb, axis=1) / denom
    # LayerNorm over last dim of sym_feats (eps=1e-5, biased variance)
    mu = jnp.mean(sym_feats, axis=-1, keepdims=True)
    var = jnp.mean((sym_feats - mu) ** 2, axis=-1, keepdims=True)
    sym_norm = (sym_feats - mu) / jnp.sqrt(var + 1e-5) * ln_w + ln_b
    # final linear
    h = jnp.concatenate([pooled, sym_norm], axis=-1)
    logits = h @ fc_w.T + fc_b
    return logits

if __name__ == "__main__":
    import jax
    _d = setup_inputs()
    print(jax.jit(kernel)(*tuple(_d.values())))

</pallas_src>

<mosaic_0001>
#map = affine_map<(d0, d1) -> (0, 0, 0)>
#map1 = affine_map<(d0, d1) -> (0, 0)>
#map2 = affine_map<(d0, d1) -> (0)>
module attributes {stable_mosaic.version = 14 : i64} {
  func.func @_sc_body(%arg0: i32, %arg1: i32, %arg2: memref<32x56x128xi32, #tpu.memory_space<hbm>>, %arg3: memref<32x56x128xi32, #tpu.memory_space<hbm>>, %arg4: memref<100000x64xf32, #tpu.memory_space<hbm>>, %arg5: memref<100000x64xf32, #tpu.memory_space<hbm>>, %arg6: memref<4096x64xf32, #tpu.memory_space<hbm>>, %arg7: memref<4096xf32, #tpu.memory_space<hbm>>, %arg8: memref<56x128xi32, #tpu.memory_space<vmem>>, %arg9: memref<56x128xi32, #tpu.memory_space<vmem>>, %arg10: memref<128x64xf32, #tpu.memory_space<vmem>>, %arg11: memref<128x64xf32, #tpu.memory_space<vmem>>, %arg12: memref<128x64xf32, #tpu.memory_space<vmem>>, %arg13: memref<128x64xf32, #tpu.memory_space<vmem>>, %arg14: memref<128x64xf32, #tpu.memory_space<vmem>>, %arg15: memref<128xf32, #tpu.memory_space<vmem>>, %arg16: memref<!tpu.dma_semaphore, #tpu.memory_space<semaphore_mem>>, %arg17: memref<!tpu.dma_semaphore, #tpu.memory_space<semaphore_mem>>) attributes {dimension_semantics = [#tpu.dimension_semantics<core_parallel>, #tpu.dimension_semantics<subcore_parallel>], iteration_bounds = array<i64: 2, 16>, scalar_prefetch = 0 : i64, scratch_operands = 10 : i64, tpu.core_type = #tpu.core_type<sc_vector_subcore>, window_params = [{transform_indices = #map}, {transform_indices = #map}, {transform_indices = #map1}, {transform_indices = #map1}, {transform_indices = #map1}, {transform_indices = #map2}]} {
    %mul3A = arith.constant 16 : i32
    %mul3A_0 = arith.muli %arg0, %mul3A : i32
    %add3A = arith.addi %mul3A_0, %arg1 : i32
    "tpu.region"() ({
      %run_scoped3A = tpu.sem_alloc : memref<!tpu.dma_semaphore, #tpu.memory_space<semaphore_mem>>
      %dma_start3A_71 = arith.constant 0 : i32
      %dma_start3A_72 = arith.constant 0 : i32
      %dma_start3A_73 = tpu.memref_slice %arg2[%add3A, %dma_start3A_71, %dma_start3A_72] : memref<32x56x128xi32, #tpu.memory_space<hbm>> -> memref<1x56x128xi32, #tpu.memory_space<hbm>>
      %dma_start3A_74 = tpu.memref_squeeze %dma_start3A_73 : memref<1x56x128xi32, #tpu.memory_space<hbm>> -> memref<56x128xi32, #tpu.memory_space<hbm>>
      %dma_start3A_75 = arith.constant 0 : i32
      %dma_start3A_76 = arith.constant 0 : i32
      %dma_start3A_77 = tpu.memref_slice %arg2[%add3A, %dma_start3A_75, %dma_start3A_76] : memref<32x56x128xi32, #tpu.memory_space<hbm>> -> memref<1x56x128xi32, #tpu.memory_space<hbm>>
      %dma_start3A_78 = tpu.memref_squeeze %dma_start3A_77 : memref<1x56x128xi32, #tpu.memory_space<hbm>> -> memref<56x128xi32, #tpu.memory_space<hbm>>
      tpu.enqueue_dma source(%dma_start3A_78 : memref<56x128xi32, #tpu.memory_space<hbm>>) target(%arg8 : memref<56x128xi32, #tpu.memory_space<vmem>>) target_semaphore(%run_scoped3A : memref<!tpu.dma_semaphore, #tpu.memory_space<semaphore_mem>>)
      %dma_wait3A = arith.constant 0 : i32
      %dma_wait3A_79 = arith.constant 0 : i32
      %dma_wait3A_80 = tpu.memref_slice %arg2[%add3A, %dma_wait3A, %dma_wait3A_79] : memref<32x56x128xi32, #tpu.memory_space<hbm>> -> memref<1x56x128xi32, #tpu.memory_space<hbm>>
      %dma_wait3A_81 = tpu.memref_squeeze %dma_wait3A_80 : memref<1x56x128xi32, #tpu.memory_space<hbm>> -> memref<56x128xi32, #tpu.memory_space<hbm>>
      %dma_wait3A_82 = arith.constant 0 : i32
      %dma_wait3A_83 = arith.constant 0 : i32
      %dma_wait3A_84 = tpu.memref_slice %arg2[%add3A, %dma_wait3A_82, %dma_wait3A_83] : memref<32x56x128xi32, #tpu.memory_space<hbm>> -> memref<1x56x128xi32, #tpu.memory_space<hbm>>
      %dma_wait3A_85 = tpu.memref_squeeze %dma_wait3A_84 : memref<1x56x128xi32, #tpu.memory_space<hbm>> -> memref<56x128xi32, #tpu.memory_space<hbm>>
      tpu.wait_dma2 semaphore(%run_scoped3A : memref<!tpu.dma_semaphore, #tpu.memory_space<semaphore_mem>>) src(%dma_wait3A_85 : memref<56x128xi32, #tpu.memory_space<hbm>>) dst(%arg8 : memref<56x128xi32, #tpu.memory_space<vmem>>)
      tpu.yield
    }) : () -> ()
    "tpu.region"() ({
      %run_scoped3A = tpu.sem_alloc : memref<!tpu.dma_semaphore, #tpu.memory_space<semaphore_mem>>
      %dma_start3A_71 = arith.constant 0 : i32
      %dma_start3A_72 = arith.constant 0 : i32
      %dma_start3A_73 = tpu.memref_slice %arg3[%add3A, %dma_start3A_71, %dma_start3A_72] : memref<32x56x128xi32, #tpu.memory_space<hbm>> -> memref<1x56x128xi32, #tpu.memory_space<hbm>>
      %dma_start3A_74 = tpu.memref_squeeze %dma_start3A_73 : memref<1x56x128xi32, #tpu.memory_space<hbm>> -> memref<56x128xi32, #tpu.memory_space<hbm>>
      %dma_start3A_75 = arith.constant 0 : i32
      %dma_start3A_76 = arith.constant 0 : i32
      %dma_start3A_77 = tpu.memref_slice %arg3[%add3A, %dma_start3A_75, %dma_start3A_76] : memref<32x56x128xi32, #tpu.memory_space<hbm>> -> memref<1x56x128xi32, #tpu.memory_space<hbm>>
      %dma_start3A_78 = tpu.memref_squeeze %dma_start3A_77 : memref<1x56x128xi32, #tpu.memory_space<hbm>> -> memref<56x128xi32, #tpu.memory_space<hbm>>
      tpu.enqueue_dma source(%dma_start3A_78 : memref<56x128xi32, #tpu.memory_space<hbm>>) target(%arg9 : memref<56x128xi32, #tpu.memory_space<vmem>>) target_semaphore(%run_scoped3A : memref<!tpu.dma_semaphore, #tpu.memory_space<semaphore_mem>>)
      %dma_wait3A = arith.constant 0 : i32
      %dma_wait3A_79 = arith.constant 0 : i32
      %dma_wait3A_80 = tpu.memref_slice %arg3[%add3A, %dma_wait3A, %dma_wait3A_79] : memref<32x56x128xi32, #tpu.memory_space<hbm>> -> memref<1x56x128xi32, #tpu.memory_space<hbm>>
      %dma_wait3A_81 = tpu.memref_squeeze %dma_wait3A_80 : memref<1x56x128xi32, #tpu.memory_space<hbm>> -> memref<56x128xi32, #tpu.memory_space<hbm>>
      %dma_wait3A_82 = arith.constant 0 : i32
      %dma_wait3A_83 = arith.constant 0 : i32
      %dma_wait3A_84 = tpu.memref_slice %arg3[%add3A, %dma_wait3A_82, %dma_wait3A_83] : memref<32x56x128xi32, #tpu.memory_space<hbm>> -> memref<1x56x128xi32, #tpu.memory_space<hbm>>
      %dma_wait3A_85 = tpu.memref_squeeze %dma_wait3A_84 : memref<1x56x128xi32, #tpu.memory_space<hbm>> -> memref<56x128xi32, #tpu.memory_space<hbm>>
      tpu.wait_dma2 semaphore(%run_scoped3A : memref<!tpu.dma_semaphore, #tpu.memory_space<semaphore_mem>>) src(%dma_wait3A_85 : memref<56x128xi32, #tpu.memory_space<hbm>>) dst(%arg9 : memref<56x128xi32, #tpu.memory_space<vmem>>)
      tpu.yield
    }) : () -> ()
    %broadcast_in_dim3A = arith.constant 0.000000e+00 : f32
    %broadcast_in_dim3A_1 = vector.broadcast %broadcast_in_dim3A : f32 to vector<16xf32>
    %broadcast_in_dim3A_2 = arith.constant 1.000000e+00 : f32
    %broadcast_in_dim3A_3 = vector.broadcast %broadcast_in_dim3A_2 : f32 to vector<16xf32>
    %broadcast_in_dim3A_4 = arith.constant 0 : i32
    %broadcast_in_dim3A_5 = vector.broadcast %broadcast_in_dim3A_4 : i32 to vector<16xi32>
    %swap3A = arith.constant 0 : index
    %swap3A_6 = tpu.vector_load %arg15[%swap3A] {strides = array<i32>} : memref<128xf32, #tpu.memory_space<vmem>>, vector<16xf32>,
    %swap3A_7 = vector.shape_cast %swap3A_6 : vector<16xf32> to vector<16xf32>
    %swap3A_8 = vector.shape_cast %broadcast_in_dim3A_1 : vector<16xf32> to vector<16xf32>
    tpu.vector_store %arg15[%swap3A], %swap3A_8 {strides = array<i32>} : memref<128xf32, #tpu.memory_space<vmem>>, vector<16xf32>,
    %swap3A_9 = arith.constant 16 : index
    %swap3A_10 = tpu.vector_load %arg15[%swap3A_9] {strides = array<i32>} : memref<128xf32, #tpu.memory_space<vmem>>, vector<16xf32>,
    %swap3A_11 = vector.shape_cast %swap3A_10 : vector<16xf32> to vector<16xf32>
    %swap3A_12 = vector.shape_cast %broadcast_in_dim3A_1 : vector<16xf32> to vector<16xf32>
    tpu.vector_store %arg15[%swap3A_9], %swap3A_12 {strides = array<i32>} : memref<128xf32, #tpu.memory_space<vmem>>, vector<16xf32>,
    %swap3A_13 = arith.constant 32 : index
    %swap3A_14 = tpu.vector_load %arg15[%swap3A_13] {strides = array<i32>} : memref<128xf32, #tpu.memory_space<vmem>>, vector<16xf32>,
    %swap3A_15 = vector.shape_cast %swap3A_14 : vector<16xf32> to vector<16xf32>
    %swap3A_16 = vector.shape_cast %broadcast_in_dim3A_1 : vector<16xf32> to vector<16xf32>
    tpu.vector_store %arg15[%swap3A_13], %swap3A_16 {strides = array<i32>} : memref<128xf32, #tpu.memory_space<vmem>>, vector<16xf32>,
    %swap3A_17 = arith.constant 48 : index
    %swap3A_18 = tpu.vector_load %arg15[%swap3A_17] {strides = array<i32>} : memref<128xf32, #tpu.memory_space<vmem>>, vector<16xf32>,
    %swap3A_19 = vector.shape_cast %swap3A_18 : vector<16xf32> to vector<16xf32>
    %swap3A_20 = vector.shape_cast %broadcast_in_dim3A_1 : vector<16xf32> to vector<16xf32>
    tpu.vector_store %arg15[%swap3A_17], %swap3A_20 {strides = array<i32>} : memref<128xf32, #tpu.memory_space<vmem>>, vector<16xf32>,
    %swap3A_21 = arith.constant 64 : index
    %swap3A_22 = tpu.vector_load %arg15[%swap3A_21] {strides = array<i32>} : memref<128xf32, #tpu.memory_space<vmem>>, vector<16xf32>,
    %swap3A_23 = vector.shape_cast %swap3A_22 : vector<16xf32> to vector<16xf32>
    %swap3A_24 = vector.shape_cast %broadcast_in_dim3A_1 : vector<16xf32> to vector<16xf32>
    tpu.vector_store %arg15[%swap3A_21], %swap3A_24 {strides = array<i32>} : memref<128xf32, #tpu.memory_space<vmem>>, vector<16xf32>,
    %swap3A_25 = arith.constant 80 : index
    %swap3A_26 = tpu.vector_load %arg15[%swap3A_25] {strides = array<i32>} : memref<128xf32, #tpu.memory_space<vmem>>, vector<16xf32>,
    %swap3A_27 = vector.shape_cast %swap3A_26 : vector<16xf32> to vector<16xf32>
    %swap3A_28 = vector.shape_cast %broadcast_in_dim3A_1 : vector<16xf32> to vector<16xf32>
    tpu.vector_store %arg15[%swap3A_25], %swap3A_28 {strides = array<i32>} : memref<128xf32, #tpu.memory_space<vmem>>, vector<16xf32>,
    %swap3A_29 = arith.constant 96 : index
    %swap3A_30 = tpu.vector_load %arg15[%swap3A_29] {strides = array<i32>} : memref<128xf32, #tpu.memory_space<vmem>>, vector<16xf32>,
    %swap3A_31 = vector.shape_cast %swap3A_30 : vector<16xf32> to vector<16xf32>
    %swap3A_32 = vector.shape_cast %broadcast_in_dim3A_1 : vector<16xf32> to vector<16xf32>
    tpu.vector_store %arg15[%swap3A_29], %swap3A_32 {strides = array<i32>} : memref<128xf32, #tpu.memory_space<vmem>>, vector<16xf32>,
    %swap3A_33 = arith.constant 112 : index
    %swap3A_34 = tpu.vector_load %arg15[%swap3A_33] {strides = array<i32>} : memref<128xf32, #tpu.memory_space<vmem>>, vector<16xf32>,
    %swap3A_35 = vector.shape_cast %swap3A_34 : vector<16xf32> to vector<16xf32>
    %swap3A_36 = vector.shape_cast %broadcast_in_dim3A_1 : vector<16xf32> to vector<16xf32>
    tpu.vector_store %arg15[%swap3A_33], %swap3A_36 {strides = array<i32>} : memref<128xf32, #tpu.memory_space<vmem>>, vector<16xf32>,
    %scan3A = arith.constant 0 : i32
    %scan3A_37 = arith.constant 0 : i32
    %scan3A_38 = arith.constant 128 : i32
    %scan3A_39 = arith.addi %scan3A_37, %scan3A_38 : i32
    %scan3A_40 = arith.constant 1 : i32
    scf.for %scan3A_71 = %scan3A_37 to %scan3A_39 step %scan3A_40  : i32 {
      %swap3A_72 = arith.index_cast %scan3A_71 : i32 to index
      %swap3A_73 = arith.constant 0 : index
      %swap3A_74 = tpu.vector_load %arg14[%swap3A_72, %swap3A_73] {strides = array<i32>} : memref<128x64xf32, #tpu.memory_space<vmem>>, vector<1x16xf32>,
      %swap3A_75 = vector.shape_cast %swap3A_74 : vector<1x16xf32> to vector<16xf32>
      %swap3A_76 = vector.shape_cast %broadcast_in_dim3A_1 : vector<16xf32> to vector<1x16xf32>
      tpu.vector_store %arg14[%swap3A_72, %swap3A_73], %swap3A_76 {strides = array<i32>} : memref<128x64xf32, #tpu.memory_space<vmem>>, vector<1x16xf32>,
      %swap3A_77 = arith.index_cast %scan3A_71 : i32 to index
      %swap3A_78 = arith.constant 16 : index
      %swap3A_79 = tpu.vector_load %arg14[%swap3A_77, %swap3A_78] {strides = array<i32>} : memref<128x64xf32, #tpu.memory_space<vmem>>, vector<1x16xf32>,
      %swap3A_80 = vector.shape_cast %swap3A_79 : vector<1x16xf32> to vector<16xf32>
      %swap3A_81 = vector.shape_cast %broadcast_in_dim3A_1 : vector<16xf32> to vector<1x16xf32>
      tpu.vector_store %arg14[%swap3A_77, %swap3A_78], %swap3A_81 {strides = array<i32>} : memref<128x64xf32, #tpu.memory_space<vmem>>, vector<1x16xf32>,
      %swap3A_82 = arith.index_cast %scan3A_71 : i32 to index
      %swap3A_83 = arith.constant 32 : index
      %swap3A_84 = tpu.vector_load %arg14[%swap3A_82, %swap3A_83] {strides = array<i32>} : memref<128x64xf32, #tpu.memory_space<vmem>>, vector<1x16xf32>,
      %swap3A_85 = vector.shape_cast %swap3A_84 : vector<1x16xf32> to vector<16xf32>
      %swap3A_86 = vector.shape_cast %broadcast_in_dim3A_1 : vector<16xf32> to vector<1x16xf32>
      tpu.vector_store %arg14[%swap3A_82, %swap3A_83], %swap3A_86 {strides = array<i32>} : memref<128x64xf32, #tpu.memory_space<vmem>>, vector<1x16xf32>,
      %swap3A_87 = arith.index_cast %scan3A_71 : i32 to index
      %swap3A_88 = arith.constant 48 : index
      %swap3A_89 = tpu.vector_load %arg14[%swap3A_87, %swap3A_88] {strides = array<i32>} : memref<128x64xf32, #tpu.memory_space<vmem>>, vector<1x16xf32>,
      %swap3A_90 = vector.shape_cast %swap3A_89 : vector<1x16xf32> to vector<16xf32>
      %swap3A_91 = vector.shape_cast %broadcast_in_dim3A_1 : vector<16xf32> to vector<1x16xf32>
      tpu.vector_store %arg14[%swap3A_87, %swap3A_88], %swap3A_91 {strides = array<i32>} : memref<128x64xf32, #tpu.memory_space<vmem>>, vector<1x16xf32>,
    }
    %scan3A_41 = arith.constant 128 : i32
    %scan3A_42 = arith.constant 0 : i32
    %scan3A_43 = arith.constant 0 : i32
    %scan3A_44 = arith.constant 50 : i32
    %scan3A_45 = arith.addi %scan3A_43, %scan3A_44 : i32
    %scan3A_46 = arith.constant 1 : i32
    scf.for %scan3A_71 = %scan3A_43 to %scan3A_45 step %scan3A_46  : i32 {
      %get3A = arith.index_cast %scan3A_71 : i32 to index
      %get3A_72 = arith.constant 0 : index
      %get3A_73 = tpu.vector_load %arg8[%get3A, %get3A_72] {strides = array<i32>} : memref<56x128xi32, #tpu.memory_space<vmem>>, vector<1x16xi32>,
      %get3A_74 = vector.shape_cast %get3A_73 : vector<1x16xi32> to vector<16xi32>
      %ne3A = arith.constant 0 : i32
      %ne3A_75 = vector.broadcast %ne3A : i32 to vector<16xi32>
      %ne3A_76 = arith.cmpi ne, %get3A_74, %ne3A_75 : vector<16xi32>
      %get3A_77 = arith.index_cast %scan3A_71 : i32 to index
      %get3A_78 = arith.constant 0 : index
      %get3A_79 = tpu.vector_load %arg9[%get3A_77, %get3A_78] {strides = array<i32>} : memref<56x128xi32, #tpu.memory_space<vmem>>, vector<1x16xi32>,
      %get3A_80 = vector.shape_cast %get3A_79 : vector<1x16xi32> to vector<16xi32>
      %select_n3A = arith.select %ne3A_76, %get3A_80, %broadcast_in_dim3A_5 : vector<16xi1>, vector<16xi32>
      %swap3A_81 = arith.index_cast %scan3A_71 : i32 to index
      %swap3A_82 = arith.constant 0 : index
      %swap3A_83 = tpu.vector_load %arg9[%swap3A_81, %swap3A_82] {strides = array<i32>} : memref<56x128xi32, #tpu.memory_space<vmem>>, vector<1x16xi32>,
      %swap3A_84 = vector.shape_cast %swap3A_83 : vector<1x16xi32> to vector<16xi32>
      %swap3A_85 = vector.shape_cast %select_n3A : vector<16xi32> to vector<1x16xi32>
      tpu.vector_store %arg9[%swap3A_81, %swap3A_82], %swap3A_85 {strides = array<i32>} : memref<56x128xi32, #tpu.memory_space<vmem>>, vector<1x16xi32>,
      %select_n3A_86 = arith.select %ne3A_76, %broadcast_in_dim3A_3, %broadcast_in_dim3A_1 : vector<16xi1>, vector<16xf32>
      %swap3A_87 = arith.constant 0 : index
      %swap3A_88 = tpu.vector_load %arg15[%swap3A_87] {strides = array<i32>} : memref<128xf32, #tpu.memory_space<vmem>>, vector<16xf32>,
      %swap3A_89 = vector.shape_cast %swap3A_88 : vector<16xf32> to vector<16xf32>
      %swap3A_90 = vector.shape_cast %select_n3A_86 : vector<16xf32> to vector<16xf32>
      tpu.vector_store %arg15[%swap3A_87], %swap3A_90 {add = true, strides = array<i32>} : memref<128xf32, #tpu.memory_space<vmem>>, vector<16xf32>,
      %get3A_91 = arith.index_cast %scan3A_71 : i32 to index
      %get3A_92 = arith.constant 16 : index
      %get3A_93 = tpu.vector_load %arg8[%get3A_91, %get3A_92] {strides = array<i32>} : memref<56x128xi32, #tpu.memory_space<vmem>>, vector<1x16xi32>,
      %get3A_94 = vector.shape_cast %get3A_93 : vector<1x16xi32> to vector<16xi32>
      %ne3A_95 = arith.constant 0 : i32
      %ne3A_96 = vector.broadcast %ne3A_95 : i32 to vector<16xi32>
      %ne3A_97 = arith.cmpi ne, %get3A_94, %ne3A_96 : vector<16xi32>
      %get3A_98 = arith.index_cast %scan3A_71 : i32 to index
      %get3A_99 = arith.constant 16 : index
      %get3A_100 = tpu.vector_load %arg9[%get3A_98, %get3A_99] {strides = array<i32>} : memref<56x128xi32, #tpu.memory_space<vmem>>, vector<1x16xi32>,
      %get3A_101 = vector.shape_cast %get3A_100 : vector<1x16xi32> to vector<16xi32>
      %select_n3A_102 = arith.select %ne3A_97, %get3A_101, %broadcast_in_dim3A_5 : vector<16xi1>, vector<16xi32>
      %swap3A_103 = arith.index_cast %scan3A_71 : i32 to index
      %swap3A_104 = arith.constant 16 : index
      %swap3A_105 = tpu.vector_load %arg9[%swap3A_103, %swap3A_104] {strides = array<i32>} : memref<56x128xi32, #tpu.memory_space<vmem>>, vector<1x16xi32>,
      %swap3A_106 = vector.shape_cast %swap3A_105 : vector<1x16xi32> to vector<16xi32>
      %swap3A_107 = vector.shape_cast %select_n3A_102 : vector<16xi32> to vector<1x16xi32>
      tpu.vector_store %arg9[%swap3A_103, %swap3A_104], %swap3A_107 {strides = array<i32>} : memref<56x128xi32, #tpu.memory_space<vmem>>, vector<1x16xi32>,
      %select_n3A_108 = arith.select %ne3A_97, %broadcast_in_dim3A_3, %broadcast_in_dim3A_1 : vector<16xi1>, vector<16xf32>
      %swap3A_109 = arith.constant 16 : index
      %swap3A_110 = tpu.vector_load %arg15[%swap3A_109] {strides = array<i32>} : memref<128xf32, #tpu.memory_space<vmem>>, vector<16xf32>,
      %swap3A_111 = vector.shape_cast %swap3A_110 : vector<16xf32> to vector<16xf32>
      %swap3A_112 = vector.shape_cast %select_n3A_108 : vector<16xf32> to vector<16xf32>
      tpu.vector_store %arg15[%swap3A_109], %swap3A_112 {add = true, strides = array<i32>} : memref<128xf32, #tpu.memory_space<vmem>>, vector<16xf32>,
      %get3A_113 = arith.index_cast %scan3A_71 : i32 to index
      %get3A_114 = arith.constant 32 : index
      %get3A_115 = tpu.vector_load %arg8[%get3A_113, %get3A_114] {strides = array<i32>} : memref<56x128xi32, #tpu.memory_space<vmem>>, vector<1x16xi32>,
      %get3A_116 = vector.shape_cast %get3A_115 : vector<1x16xi32> to vector<16xi32>
      %ne3A_117 = arith.constant 0 : i32
      %ne3A_118 = vector.broadcast %ne3A_117 : i32 to vector<16xi32>
      %ne3A_119 = arith.cmpi ne, %get3A_116, %ne3A_118 : vector<16xi32>
      %get3A_120 = arith.index_cast %scan3A_71 : i32 to index
      %get3A_121 = arith.constant 32 : index
      %get3A_122 = tpu.vector_load %arg9[%get3A_120, %get3A_121] {strides = array<i32>} : memref<56x128xi32, #tpu.memory_space<vmem>>, vector<1x16xi32>,
      %get3A_123 = vector.shape_cast %get3A_122 : vector<1x16xi32> to vector<16xi32>
      %select_n3A_124 = arith.select %ne3A_119, %get3A_123, %broadcast_in_dim3A_5 : vector<16xi1>, vector<16xi32>
      %swap3A_125 = arith.index_cast %scan3A_71 : i32 to index
      %swap3A_126 = arith.constant 32 : index
      %swap3A_127 = tpu.vector_load %arg9[%swap3A_125, %swap3A_126] {strides = array<i32>} : memref<56x128xi32, #tpu.memory_space<vmem>>, vector<1x16xi32>,
      %swap3A_128 = vector.shape_cast %swap3A_127 : vector<1x16xi32> to vector<16xi32>
      %swap3A_129 = vector.shape_cast %select_n3A_124 : vector<16xi32> to vector<1x16xi32>
      tpu.vector_store %arg9[%swap3A_125, %swap3A_126], %swap3A_129 {strides = array<i32>} : memref<56x128xi32, #tpu.memory_space<vmem>>, vector<1x16xi32>,
      %select_n3A_130 = arith.select %ne3A_119, %broadcast_in_dim3A_3, %broadcast_in_dim3A_1 : vector<16xi1>, vector<16xf32>
      %swap3A_131 = arith.constant 32 : index
      %swap3A_132 = tpu.vector_load %arg15[%swap3A_131] {strides = array<i32>} : memref<128xf32, #tpu.memory_space<vmem>>, vector<16xf32>,
      %swap3A_133 = vector.shape_cast %swap3A_132 : vector<16xf32> to vector<16xf32>
      %swap3A_134 = vector.shape_cast %select_n3A_130 : vector<16xf32> to vector<16xf32>
      tpu.vector_store %arg15[%swap3A_131], %swap3A_134 {add = true, strides = array<i32>} : memref<128xf32, #tpu.memory_space<vmem>>, vector<16xf32>,
      %get3A_135 = arith.index_cast %scan3A_71 : i32 to index
      %get3A_136 = arith.constant 48 : index
      %get3A_137 = tpu.vector_load %arg8[%get3A_135, %get3A_136] {strides = array<i32>} : memref<56x128xi32, #tpu.memory_space<vmem>>, vector<1x16xi32>,
      %get3A_138 = vector.shape_cast %get3A_137 : vector<1x16xi32> to vector<16xi32>
      %ne3A_139 = arith.constant 0 : i32
      %ne3A_140 = vector.broadcast %ne3A_139 : i32 to vector<16xi32>
      %ne3A_141 = arith.cmpi ne, %get3A_138, %ne3A_140 : vector<16xi32>
      %get3A_142 = arith.index_cast %scan3A_71 : i32 to index
      %get3A_143 = arith.constant 48 : index
      %get3A_144 = tpu.vector_load %arg9[%get3A_142, %get3A_143] {strides = array<i32>} : memref<56x128xi32, #tpu.memory_space<vmem>>, vector<1x16xi32>,
      %get3A_145 = vector.shape_cast %get3A_144 : vector<1x16xi32> to vector<16xi32>
      %select_n3A_146 = arith.select %ne3A_141, %get3A_145, %broadcast_in_dim3A_5 : vector<16xi1>, vector<16xi32>
      %swap3A_147 = arith.index_cast %scan3A_71 : i32 to index
      %swap3A_148 = arith.constant 48 : index
      %swap3A_149 = tpu.vector_load %arg9[%swap3A_147, %swap3A_148] {strides = array<i32>} : memref<56x128xi32, #tpu.memory_space<vmem>>, vector<1x16xi32>,
      %swap3A_150 = vector.shape_cast %swap3A_149 : vector<1x16xi32> to vector<16xi32>
      %swap3A_151 = vector.shape_cast %select_n3A_146 : vector<16xi32> to vector<1x16xi32>
      tpu.vector_store %arg9[%swap3A_147, %swap3A_148], %swap3A_151 {strides = array<i32>} : memref<56x128xi32, #tpu.memory_space<vmem>>, vector<1x16xi32>,
      %select_n3A_152 = arith.select %ne3A_141, %broadcast_in_dim3A_3, %broadcast_in_dim3A_1 : vector<16xi1>, vector<16xf32>
      %swap3A_153 = arith.constant 48 : index
      %swap3A_154 = tpu.vector_load %arg15[%swap3A_153] {strides = array<i32>} : memref<128xf32, #tpu.memory_space<vmem>>, vector<16xf32>,
      %swap3A_155 = vector.shape_cast %swap3A_154 : vector<16xf32> to vector<16xf32>
      %swap3A_156 = vector.shape_cast %select_n3A_152 : vector<16xf32> to vector<16xf32>
      tpu.vector_store %arg15[%swap3A_153], %swap3A_156 {add = true, strides = array<i32>} : memref<128xf32, #tpu.memory_space<vmem>>, vector<16xf32>,
      %get3A_157 = arith.index_cast %scan3A_71 : i32 to index
      %get3A_158 = arith.constant 64 : index
      %get3A_159 = tpu.vector_load %arg8[%get3A_157, %get3A_158] {strides = array<i32>} : memref<56x128xi32, #tpu.memory_space<vmem>>, vector<1x16xi32>,
      %get3A_160 = vector.shape_cast %get3A_159 : vector<1x16xi32> to vector<16xi32>
      %ne3A_161 = arith.constant 0 : i32
      %ne3A_162 = vector.broadcast %ne3A_161 : i32 to vector<16xi32>
      %ne3A_163 = arith.cmpi ne, %get3A_160, %ne3A_162 : vector<16xi32>
      %get3A_164 = arith.index_cast %scan3A_71 : i32 to index
      %get3A_165 = arith.constant 64 : index
      %get3A_166 = tpu.vector_load %arg9[%get3A_164, %get3A_165] {strides = array<i32>} : memref<56x128xi32, #tpu.memory_space<vmem>>, vector<1x16xi32>,
      %get3A_167 = vector.shape_cast %get3A_166 : vector<1x16xi32> to vector<16xi32>
      %select_n3A_168 = arith.select %ne3A_163, %get3A_167, %broadcast_in_dim3A_5 : vector<16xi1>, vector<16xi32>
      %swap3A_169 = arith.index_cast %scan3A_71 : i32 to index
      %swap3A_170 = arith.constant 64 : index
      %swap3A_171 = tpu.vector_load %arg9[%swap3A_169, %swap3A_170] {strides = array<i32>} : memref<56x128xi32, #tpu.memory_space<vmem>>, vector<1x16xi32>,
      %swap3A_172 = vector.shape_cast %swap3A_171 : vector<1x16xi32> to vector<16xi32>
      %swap3A_173 = vector.shape_cast %select_n3A_168 : vector<16xi32> to vector<1x16xi32>
      tpu.vector_store %arg9[%swap3A_169, %swap3A_170], %swap3A_173 {strides = array<i32>} : memref<56x128xi32, #tpu.memory_space<vmem>>, vector<1x16xi32>,
      %select_n3A_174 = arith.select %ne3A_163, %broadcast_in_dim3A_3, %broadcast_in_dim3A_1 : vector<16xi1>, vector<16xf32>
      %swap3A_175 = arith.constant 64 : index
      %swap3A_176 = tpu.vector_load %arg15[%swap3A_175] {strides = array<i32>} : memref<128xf32, #tpu.memory_space<vmem>>, vector<16xf32>,
      %swap3A_177 = vector.shape_cast %swap3A_176 : vector<16xf32> to vector<16xf32>
      %swap3A_178 = vector.shape_cast %select_n3A_174 : vector<16xf32> to vector<16xf32>
      tpu.vector_store %arg15[%swap3A_175], %swap3A_178 {add = true, strides = array<i32>} : memref<128xf32, #tpu.memory_space<vmem>>, vector<16xf32>,
      %get3A_179 = arith.index_cast %scan3A_71 : i32 to index
      %get3A_180 = arith.constant 80 : index
      %get3A_181 = tpu.vector_load %arg8[%get3A_179, %get3A_180] {strides = array<i32>} : memref<56x128xi32, #tpu.memory_space<vmem>>, vector<1x16xi32>,
      %get3A_182 = vector.shape_cast %get3A_181 : vector<1x16xi32> to vector<16xi32>
      %ne3A_183 = arith.constant 0 : i32
      %ne3A_184 = vector.broadcast %ne3A_183 : i32 to vector<16xi32>
      %ne3A_185 = arith.cmpi ne, %get3A_182, %ne3A_184 : vector<16xi32>
      %get3A_186 = arith.index_cast %scan3A_71 : i32 to index
      %get3A_187 = arith.constant 80 : index
      %get3A_188 = tpu.vector_load %arg9[%get3A_186, %get3A_187] {strides = array<i32>} : memref<56x128xi32, #tpu.memory_space<vmem>>, vector<1x16xi32>,
      %get3A_189 = vector.shape_cast %get3A_188 : vector<1x16xi32> to vector<16xi32>
      %select_n3A_190 = arith.select %ne3A_185, %get3A_189, %broadcast_in_dim3A_5 : vector<16xi1>, vector<16xi32>
      %swap3A_191 = arith.index_cast %scan3A_71 : i32 to index
      %swap3A_192 = arith.constant 80 : index
      %swap3A_193 = tpu.vector_load %arg9[%swap3A_191, %swap3A_192] {strides = array<i32>} : memref<56x128xi32, #tpu.memory_space<vmem>>, vector<1x16xi32>,
      %swap3A_194 = vector.shape_cast %swap3A_193 : vector<1x16xi32> to vector<16xi32>
      %swap3A_195 = vector.shape_cast %select_n3A_190 : vector<16xi32> to vector<1x16xi32>
      tpu.vector_store %arg9[%swap3A_191, %swap3A_192], %swap3A_195 {strides = array<i32>} : memref<56x128xi32, #tpu.memory_space<vmem>>, vector<1x16xi32>,
      %select_n3A_196 = arith.select %ne3A_185, %broadcast_in_dim3A_3, %broadcast_in_dim3A_1 : vector<16xi1>, vector<16xf32>
      %swap3A_197 = arith.constant 80 : index
      %swap3A_198 = tpu.vector_load %arg15[%swap3A_197] {strides = array<i32>} : memref<128xf32, #tpu.memory_space<vmem>>, vector<16xf32>,
      %swap3A_199 = vector.shape_cast %swap3A_198 : vector<16xf32> to vector<16xf32>
      %swap3A_200 = vector.shape_cast %select_n3A_196 : vector<16xf32> to vector<16xf32>
      tpu.vector_store %arg15[%swap3A_197], %swap3A_200 {add = true, strides = array<i32>} : memref<128xf32, #tpu.memory_space<vmem>>, vector<16xf32>,
      %get3A_201 = arith.index_cast %scan3A_71 : i32 to index
      %get3A_202 = arith.constant 96 : index
      %get3A_203 = tpu.vector_load %arg8[%get3A_201, %get3A_202] {strides = array<i32>} : memref<56x128xi32, #tpu.memory_space<vmem>>, vector<1x16xi32>,
      %get3A_204 = vector.shape_cast %get3A_203 : vector<1x16xi32> to vector<16xi32>
      %ne3A_205 = arith.constant 0 : i32
      %ne3A_206 = vector.broadcast %ne3A_205 : i32 to vector<16xi32>
      %ne3A_207 = arith.cmpi ne, %get3A_204, %ne3A_206 : vector<16xi32>
      %get3A_208 = arith.index_cast %scan3A_71 : i32 to index
      %get3A_209 = arith.constant 96 : index
      %get3A_210 = tpu.vector_load %arg9[%get3A_208, %get3A_209] {strides = array<i32>} : memref<56x128xi32, #tpu.memory_space<vmem>>, vector<1x16xi32>,
      %get3A_211 = vector.shape_cast %get3A_210 : vector<1x16xi32> to vector<16xi32>
      %select_n3A_212 = arith.select %ne3A_207, %get3A_211, %broadcast_in_dim3A_5 : vector<16xi1>, vector<16xi32>
      %swap3A_213 = arith.index_cast %scan3A_71 : i32 to index
      %swap3A_214 = arith.constant 96 : index
      %swap3A_215 = tpu.vector_load %arg9[%swap3A_213, %swap3A_214] {strides = array<i32>} : memref<56x128xi32, #tpu.memory_space<vmem>>, vector<1x16xi32>,
      %swap3A_216 = vector.shape_cast %swap3A_215 : vector<1x16xi32> to vector<16xi32>
      %swap3A_217 = vector.shape_cast %select_n3A_212 : vector<16xi32> to vector<1x16xi32>
      tpu.vector_store %arg9[%swap3A_213, %swap3A_214], %swap3A_217 {strides = array<i32>} : memref<56x128xi32, #tpu.memory_space<vmem>>, vector<1x16xi32>,
      %select_n3A_218 = arith.select %ne3A_207, %broadcast_in_dim3A_3, %broadcast_in_dim3A_1 : vector<16xi1>, vector<16xf32>
      %swap3A_219 = arith.constant 96 : index
      %swap3A_220 = tpu.vector_load %arg15[%swap3A_219] {strides = array<i32>} : memref<128xf32, #tpu.memory_space<vmem>>, vector<16xf32>,
      %swap3A_221 = vector.shape_cast %swap3A_220 : vector<16xf32> to vector<16xf32>
      %swap3A_222 = vector.shape_cast %select_n3A_218 : vector<16xf32> to vector<16xf32>
      tpu.vector_store %arg15[%swap3A_219], %swap3A_222 {add = true, strides = array<i32>} : memref<128xf32, #tpu.memory_space<vmem>>, vector<16xf32>,
      %get3A_223 = arith.index_cast %scan3A_71 : i32 to index
      %get3A_224 = arith.constant 112 : index
      %get3A_225 = tpu.vector_load %arg8[%get3A_223, %get3A_224] {strides = array<i32>} : memref<56x128xi32, #tpu.memory_space<vmem>>, vector<1x16xi32>,
      %get3A_226 = vector.shape_cast %get3A_225 : vector<1x16xi32> to vector<16xi32>
      %ne3A_227 = arith.constant 0 : i32
      %ne3A_228 = vector.broadcast %ne3A_227 : i32 to vector<16xi32>
      %ne3A_229 = arith.cmpi ne, %get3A_226, %ne3A_228 : vector<16xi32>
      %get3A_230 = arith.index_cast %scan3A_71 : i32 to index
      %get3A_231 = arith.constant 112 : index
      %get3A_232 = tpu.vector_load %arg9[%get3A_230, %get3A_231] {strides = array<i32>} : memref<56x128xi32, #tpu.memory_space<vmem>>, vector<1x16xi32>,
      %get3A_233 = vector.shape_cast %get3A_232 : vector<1x16xi32> to vector<16xi32>
      %select_n3A_234 = arith.select %ne3A_229, %get3A_233, %broadcast_in_dim3A_5 : vector<16xi1>, vector<16xi32>
      %swap3A_235 = arith.index_cast %scan3A_71 : i32 to index
      %swap3A_236 = arith.constant 112 : index
      %swap3A_237 = tpu.vector_load %arg9[%swap3A_235, %swap3A_236] {strides = array<i32>} : memref<56x128xi32, #tpu.memory_space<vmem>>, vector<1x16xi32>,
      %swap3A_238 = vector.shape_cast %swap3A_237 : vector<1x16xi32> to vector<16xi32>
      %swap3A_239 = vector.shape_cast %select_n3A_234 : vector<16xi32> to vector<1x16xi32>
      tpu.vector_store %arg9[%swap3A_235, %swap3A_236], %swap3A_239 {strides = array<i32>} : memref<56x128xi32, #tpu.memory_space<vmem>>, vector<1x16xi32>,
      %select_n3A_240 = arith.select %ne3A_229, %broadcast_in_dim3A_3, %broadcast_in_dim3A_1 : vector<16xi1>, vector<16xf32>
      %swap3A_241 = arith.constant 112 : index
      %swap3A_242 = tpu.vector_load %arg15[%swap3A_241] {strides = array<i32>} : memref<128xf32, #tpu.memory_space<vmem>>, vector<16xf32>,
      %swap3A_243 = vector.shape_cast %swap3A_242 : vector<16xf32> to vector<16xf32>
      %swap3A_244 = vector.shape_cast %select_n3A_240 : vector<16xf32> to vector<16xf32>
      tpu.vector_store %arg15[%swap3A_241], %swap3A_244 {add = true, strides = array<i32>} : memref<128xf32, #tpu.memory_space<vmem>>, vector<16xf32>,
    }
    %scan3A_47 = arith.constant 50 : i32
    %dma_start3A = arith.constant 0 : i32
    %dma_start3A_48 = arith.constant 0 : i32
    %dma_start3A_49 = tpu.memref_slice %arg8[%dma_start3A, %dma_start3A_48] : memref<56x128xi32, #tpu.memory_space<vmem>> -> memref<1x128xi32, #tpu.memory_space<vmem>>
    %dma_start3A_50 = tpu.memref_squeeze %dma_start3A_49 : memref<1x128xi32, #tpu.memory_space<vmem>> -> memref<128xi32, #tpu.memory_space<vmem>>
    %dma_start3A_51 = arith.constant 0 : i32
    %dma_start3A_52 = arith.constant 0 : i32
    %dma_start3A_53 = tpu.memref_slice %arg4[%dma_start3A_51, %dma_start3A_52] : memref<100000x64xf32, #tpu.memory_space<hbm>> -> memref<100000x64xf32, #tpu.memory_space<hbm>>
    tpu.enqueue_indirect_dma source(%dma_start3A_53 : memref<100000x64xf32, #tpu.memory_space<hbm>>) target(%arg10 : memref<128x64xf32, #tpu.memory_space<vmem>>) offsets(%dma_start3A_50 : memref<128xi32, #tpu.memory_space<vmem>>) semaphore(%arg16 : memref<!tpu.dma_semaphore, #tpu.memory_space<semaphore_mem>>)
    %dma_start3A_54 = arith.constant 0 : i32
    %dma_start3A_55 = arith.constant 0 : i32
    %dma_start3A_56 = tpu.memref_slice %arg9[%dma_start3A_54, %dma_start3A_55] : memref<56x128xi32, #tpu.memory_space<vmem>> -> memref<1x128xi32, #tpu.memory_space<vmem>>
    %dma_start3A_57 = tpu.memref_squeeze %dma_start3A_56 : memref<1x128xi32, #tpu.memory_space<vmem>> -> memref<128xi32, #tpu.memory_space<vmem>>
    %dma_start3A_58 = arith.constant 0 : i32
    %dma_start3A_59 = arith.constant 0 : i32
    %dma_start3A_60 = tpu.memref_slice %arg5[%dma_start3A_58, %dma_start3A_59] : memref<100000x64xf32, #tpu.memory_space<hbm>> -> memref<100000x64xf32, #tpu.memory_space<hbm>>
    tpu.enqueue_indirect_dma source(%dma_start3A_60 : memref<100000x64xf32, #tpu.memory_space<hbm>>) target(%arg11 : memref<128x64xf32, #tpu.memory_space<vmem>>) offsets(%dma_start3A_57 : memref<128xi32, #tpu.memory_space<vmem>>) semaphore(%arg16 : memref<!tpu.dma_semaphore, #tpu.memory_space<semaphore_mem>>)
    %scan3A_61 = arith.constant 0 : i32
    %scan3A_62 = arith.constant 0 : i32
    %scan3A_63 = arith.constant 25 : i32
    %scan3A_64 = arith.addi %scan3A_62, %scan3A_63 : i32
    %scan3A_65 = arith.constant 1 : i32
    scf.for %scan3A_71 = %scan3A_62 to %scan3A_64 step %scan3A_65  : i32 {
      %mul3A_72 = arith.constant 2 : i32
      %mul3A_73 = arith.muli %mul3A_72, %scan3A_71 : i32
      %add3A_74 = arith.constant 1 : i32
      %add3A_75 = arith.addi %mul3A_73, %add3A_74 : i32
      %dma_start3A_76 = arith.constant 0 : i32
      %dma_start3A_77 = tpu.memref_slice %arg8[%add3A_75, %dma_start3A_76] : memref<56x128xi32, #tpu.memory_space<vmem>> -> memref<1x128xi32, #tpu.memory_space<vmem>>
      %dma_start3A_78 = tpu.memref_squeeze %dma_start3A_77 : memref<1x128xi32, #tpu.memory_space<vmem>> -> memref<128xi32, #tpu.memory_space<vmem>>
      %dma_start3A_79 = arith.constant 0 : i32
      %dma_start3A_80 = arith.constant 0 : i32
      %dma_start3A_81 = tpu.memref_slice %arg4[%dma_start3A_79, %dma_start3A_80] : memref<100000x64xf32, #tpu.memory_space<hbm>> -> memref<100000x64xf32, #tpu.memory_space<hbm>>
      tpu.enqueue_indirect_dma source(%dma_start3A_81 : memref<100000x64xf32, #tpu.memory_space<hbm>>) target(%arg12 : memref<128x64xf32, #tpu.memory_space<vmem>>) offsets(%dma_start3A_78 : memref<128xi32, #tpu.memory_space<vmem>>) semaphore(%arg17 : memref<!tpu.dma_semaphore, #tpu.memory_space<semaphore_mem>>)
      %dma_start3A_82 = arith.constant 0 : i32
      %dma_start3A_83 = tpu.memref_slice %arg9[%add3A_75, %dma_start3A_82] : memref<56x128xi32, #tpu.memory_space<vmem>> -> memref<1x128xi32, #tpu.memory_space<vmem>>
      %dma_start3A_84 = tpu.memref_squeeze %dma_start3A_83 : memref<1x128xi32, #tpu.memory_space<vmem>> -> memref<128xi32, #tpu.memory_space<vmem>>
      %dma_start3A_85 = arith.constant 0 : i32
      %dma_start3A_86 = arith.constant 0 : i32
      %dma_start3A_87 = tpu.memref_slice %arg5[%dma_start3A_85, %dma_start3A_86] : memref<100000x64xf32, #tpu.memory_space<hbm>> -> memref<100000x64xf32, #tpu.memory_space<hbm>>
      tpu.enqueue_indirect_dma source(%dma_start3A_87 : memref<100000x64xf32, #tpu.memory_space<hbm>>) target(%arg13 : memref<128x64xf32, #tpu.memory_space<vmem>>) offsets(%dma_start3A_84 : memref<128xi32, #tpu.memory_space<vmem>>) semaphore(%arg17 : memref<!tpu.dma_semaphore, #tpu.memory_space<semaphore_mem>>)
      %dma_wait3A = arith.constant 0 : i32
      %dma_wait3A_88 = tpu.memref_slice %arg8[%mul3A_73, %dma_wait3A] : memref<56x128xi32, #tpu.memory_space<vmem>> -> memref<1x128xi32, #tpu.memory_space<vmem>>
      %dma_wait3A_89 = tpu.memref_squeeze %dma_wait3A_88 : memref<1x128xi32, #tpu.memory_space<vmem>> -> memref<128xi32, #tpu.memory_space<vmem>>
      %dma_wait3A_90 = arith.constant 0 : i32
      %dma_wait3A_91 = arith.constant 0 : i32
      %dma_wait3A_92 = tpu.memref_slice %arg4[%dma_wait3A_90, %dma_wait3A_91] : memref<100000x64xf32, #tpu.memory_space<hbm>> -> memref<100000x64xf32, #tpu.memory_space<hbm>>
      tpu.wait_indirect_dma semaphore(%arg16 : memref<!tpu.dma_semaphore, #tpu.memory_space<semaphore_mem>>) src(%dma_wait3A_92 : memref<100000x64xf32, #tpu.memory_space<hbm>>) dst(%arg10 : memref<128x64xf32, #tpu.memory_space<vmem>>)
      %dma_wait3A_93 = arith.constant 0 : i32
      %dma_wait3A_94 = tpu.memref_slice %arg9[%mul3A_73, %dma_wait3A_93] : memref<56x128xi32, #tpu.memory_space<vmem>> -> memref<1x128xi32, #tpu.memory_space<vmem>>
      %dma_wait3A_95 = tpu.memref_squeeze %dma_wait3A_94 : memref<1x128xi32, #tpu.memory_space<vmem>> -> memref<128xi32, #tpu.memory_space<vmem>>
      %dma_wait3A_96 = arith.constant 0 : i32
      %dma_wait3A_97 = arith.constant 0 : i32
      %dma_wait3A_98 = tpu.memref_slice %arg5[%dma_wait3A_96, %dma_wait3A_97] : memref<100000x64xf32, #tpu.memory_space<hbm>> -> memref<100000x64xf32, #tpu.memory_space<hbm>>
      tpu.wait_indirect_dma semaphore(%arg16 : memref<!tpu.dma_semaphore, #tpu.memory_space<semaphore_mem>>) src(%dma_wait3A_98 : memref<100000x64xf32, #tpu.memory_space<hbm>>) dst(%arg11 : memref<128x64xf32, #tpu.memory_space<vmem>>)
      %scan3A_99 = arith.constant 0 : i32
      %scan3A_100 = arith.constant 0 : i32
      %scan3A_101 = arith.constant 32 : i32
      %scan3A_102 = arith.addi %scan3A_100, %scan3A_101 : i32
      %scan3A_103 = arith.constant 1 : i32
      scf.for %scan3A_129 = %scan3A_100 to %scan3A_102 step %scan3A_103  : i32 {
        %mul3A_130 = arith.constant 4 : i32
        %mul3A_131 = arith.muli %scan3A_129, %mul3A_130 : i32
        %add3A_132 = arith.constant 0 : i32
        %add3A_133 = arith.addi %mul3A_131, %add3A_132 : i32
        %get3A = arith.index_cast %add3A_133 : i32 to index
        %get3A_134 = arith.constant 0 : index
        %get3A_135 = tpu.vector_load %arg10[%get3A, %get3A_134] {strides = array<i32>} : memref<128x64xf32, #tpu.memory_space<vmem>>, vector<1x16xf32>,
        %get3A_136 = vector.shape_cast %get3A_135 : vector<1x16xf32> to vector<16xf32>
        %get3A_137 = arith.index_cast %add3A_133 : i32 to index
        %get3A_138 = arith.constant 0 : index
        %get3A_139 = tpu.vector_load %arg11[%get3A_137, %get3A_138] {strides = array<i32>} : memref<128x64xf32, #tpu.memory_space<vmem>>, vector<1x16xf32>,
        %get3A_140 = vector.shape_cast %get3A_139 : vector<1x16xf32> to vector<16xf32>
        %add3A_141 = arith.addf %get3A_136, %get3A_140 : vector<16xf32>
        %swap3A_142 = arith.index_cast %add3A_133 : i32 to index
        %swap3A_143 = arith.constant 0 : index
        %swap3A_144 = tpu.vector_load %arg14[%swap3A_142, %swap3A_143] {strides = array<i32>} : memref<128x64xf32, #tpu.memory_space<vmem>>, vector<1x16xf32>,
        %swap3A_145 = vector.shape_cast %swap3A_144 : vector<1x16xf32> to vector<16xf32>
        %swap3A_146 = vector.shape_cast %add3A_141 : vector<16xf32> to vector<1x16xf32>
        tpu.vector_store %arg14[%swap3A_142, %swap3A_143], %swap3A_146 {add = true, strides = array<i32>} : memref<128x64xf32, #tpu.memory_space<vmem>>, vector<1x16xf32>,
        %get3A_147 = arith.index_cast %add3A_133 : i32 to index
        %get3A_148 = arith.constant 16 : index
        %get3A_149 = tpu.vector_load %arg10[%get3A_147, %get3A_148] {strides = array<i32>} : memref<128x64xf32, #tpu.memory_space<vmem>>, vector<1x16xf32>,
        %get3A_150 = vector.shape_cast %get3A_149 : vector<1x16xf32> to vector<16xf32>
        %get3A_151 = arith.index_cast %add3A_133 : i32 to index
        %get3A_152 = arith.constant 16 : index
        %get3A_153 = tpu.vector_load %arg11[%get3A_151, %get3A_152] {strides = array<i32>} : memref<128x64xf32, #tpu.memory_space<vmem>>, vector<1x16xf32>,
        %get3A_154 = vector.shape_cast %get3A_153 : vector<1x16xf32> to vector<16xf32>
        %add3A_155 = arith.addf %get3A_150, %get3A_154 : vector<16xf32>
        %swap3A_156 = arith.index_cast %add3A_133 : i32 to index
        %swap3A_157 = arith.constant 16 : index
        %swap3A_158 = tpu.vector_load %arg14[%swap3A_156, %swap3A_157] {strides = array<i32>} : memref<128x64xf32, #tpu.memory_space<vmem>>, vector<1x16xf32>,
        %swap3A_159 = vector.shape_cast %swap3A_158 : vector<1x16xf32> to vector<16xf32>
        %swap3A_160 = vector.shape_cast %add3A_155 : vector<16xf32> to vector<1x16xf32>
        tpu.vector_store %arg14[%swap3A_156, %swap3A_157], %swap3A_160 {add = true, strides = array<i32>} : memref<128x64xf32, #tpu.memory_space<vmem>>, vector<1x16xf32>,
        %get3A_161 = arith.index_cast %add3A_133 : i32 to index
        %get3A_162 = arith.constant 32 : index
        %get3A_163 = tpu.vector_load %arg10[%get3A_161, %get3A_162] {strides = array<i32>} : memref<128x64xf32, #tpu.memory_space<vmem>>, vector<1x16xf32>,
        %get3A_164 = vector.shape_cast %get3A_163 : vector<1x16xf32> to vector<16xf32>
        %get3A_165 = arith.index_cast %add3A_133 : i32 to index
        %get3A_166 = arith.constant 32 : index
        %get3A_167 = tpu.vector_load %arg11[%get3A_165, %get3A_166] {strides = array<i32>} : memref<128x64xf32, #tpu.memory_space<vmem>>, vector<1x16xf32>,
        %get3A_168 = vector.shape_cast %get3A_167 : vector<1x16xf32> to vector<16xf32>
        %add3A_169 = arith.addf %get3A_164, %get3A_168 : vector<16xf32>
        %swap3A_170 = arith.index_cast %add3A_133 : i32 to index
        %swap3A_171 = arith.constant 32 : index
        %swap3A_172 = tpu.vector_load %arg14[%swap3A_170, %swap3A_171] {strides = array<i32>} : memref<128x64xf32, #tpu.memory_space<vmem>>, vector<1x16xf32>,
        %swap3A_173 = vector.shape_cast %swap3A_172 : vector<1x16xf32> to vector<16xf32>
        %swap3A_174 = vector.shape_cast %add3A_169 : vector<16xf32> to vector<1x16xf32>
        tpu.vector_store %arg14[%swap3A_170, %swap3A_171], %swap3A_174 {add = true, strides = array<i32>} : memref<128x64xf32, #tpu.memory_space<vmem>>, vector<1x16xf32>,
        %get3A_175 = arith.index_cast %add3A_133 : i32 to index
        %get3A_176 = arith.constant 48 : index
        %get3A_177 = tpu.vector_load %arg10[%get3A_175, %get3A_176] {strides = array<i32>} : memref<128x64xf32, #tpu.memory_space<vmem>>, vector<1x16xf32>,
        %get3A_178 = vector.shape_cast %get3A_177 : vector<1x16xf32> to vector<16xf32>
        %get3A_179 = arith.index_cast %add3A_133 : i32 to index
        %get3A_180 = arith.constant 48 : index
        %get3A_181 = tpu.vector_load %arg11[%get3A_179, %get3A_180] {strides = array<i32>} : memref<128x64xf32, #tpu.memory_space<vmem>>, vector<1x16xf32>,
        %get3A_182 = vector.shape_cast %get3A_181 : vector<1x16xf32> to vector<16xf32>
        %add3A_183 = arith.addf %get3A_178, %get3A_182 : vector<16xf32>
        %swap3A_184 = arith.index_cast %add3A_133 : i32 to index
        %swap3A_185 = arith.constant 48 : index
        %swap3A_186 = tpu.vector_load %arg14[%swap3A_184, %swap3A_185] {strides = array<i32>} : memref<128x64xf32, #tpu.memory_space<vmem>>, vector<1x16xf32>,
        %swap3A_187 = vector.shape_cast %swap3A_186 : vector<1x16xf32> to vector<16xf32>
        %swap3A_188 = vector.shape_cast %add3A_183 : vector<16xf32> to vector<1x16xf32>
        tpu.vector_store %arg14[%swap3A_184, %swap3A_185], %swap3A_188 {add = true, strides = array<i32>} : memref<128x64xf32, #tpu.memory_space<vmem>>, vector<1x16xf32>,
        %mul3A_189 = arith.constant 4 : i32
        %mul3A_190 = arith.muli %scan3A_129, %mul3A_189 : i32
        %add3A_191 = arith.constant 1 : i32
        %add3A_192 = arith.addi %mul3A_190, %add3A_191 : i32
        %get3A_193 = arith.index_cast %add3A_192 : i32 to index
        %get3A_194 = arith.constant 0 : index
        %get3A_195 = tpu.vector_load %arg10[%get3A_193, %get3A_194] {strides = array<i32>} : memref<128x64xf32, #tpu.memory_space<vmem>>, vector<1x16xf32>,
        %get3A_196 = vector.shape_cast %get3A_195 : vector<1x16xf32> to vector<16xf32>
        %get3A_197 = arith.index_cast %add3A_192 : i32 to index
        %get3A_198 = arith.constant 0 : index
        %get3A_199 = tpu.vector_load %arg11[%get3A_197, %get3A_198] {strides = array<i32>} : memref<128x64xf32, #tpu.memory_space<vmem>>, vector<1x16xf32>,
        %get3A_200 = vector.shape_cast %get3A_199 : vector<1x16xf32> to vector<16xf32>
        %add3A_201 = arith.addf %get3A_196, %get3A_200 : vector<16xf32>
        %swap3A_202 = arith.index_cast %add3A_192 : i32 to index
        %swap3A_203 = arith.constant 0 : index
        %swap3A_204 = tpu.vector_load %arg14[%swap3A_202, %swap3A_203] {strides = array<i32>} : memref<128x64xf32, #tpu.memory_space<vmem>>, vector<1x16xf32>,
        %swap3A_205 = vector.shape_cast %swap3A_204 : vector<1x16xf32> to vector<16xf32>
        %swap3A_206 = vector.shape_cast %add3A_201 : vector<16xf32> to vector<1x16xf32>
        tpu.vector_store %arg14[%swap3A_202, %swap3A_203], %swap3A_206 {add = true, strides = array<i32>} : memref<128x64xf32, #tpu.memory_space<vmem>>, vector<1x16xf32>,
        %get3A_207 = arith.index_cast %add3A_192 : i32 to index
        %get3A_208 = arith.constant 16 : index
        %get3A_209 = tpu.vector_load %arg10[%get3A_207, %get3A_208] {strides = array<i32>} : memref<128x64xf32, #tpu.memory_space<vmem>>, vector<1x16xf32>,
        %get3A_210 = vector.shape_cast %get3A_209 : vector<1x16xf32> to vector<16xf32>
        %get3A_211 = arith.index_cast %add3A_192 : i32 to index
        %get3A_212 = arith.constant 16 : index
        %get3A_213 = tpu.vector_load %arg11[%get3A_211, %get3A_212] {strides = array<i32>} : memref<128x64xf32, #tpu.memory_space<vmem>>, vector<1x16xf32>,
        %get3A_214 = vector.shape_cast %get3A_213 : vector<1x16xf32> to vector<16xf32>
        %add3A_215 = arith.addf %get3A_210, %get3A_214 : vector<16xf32>
        %swap3A_216 = arith.index_cast %add3A_192 : i32 to index
        %swap3A_217 = arith.constant 16 : index
        %swap3A_218 = tpu.vector_load %arg14[%swap3A_216, %swap3A_217] {strides = array<i32>} : memref<128x64xf32, #tpu.memory_space<vmem>>, vector<1x16xf32>,
        %swap3A_219 = vector.shape_cast %swap3A_218 : vector<1x16xf32> to vector<16xf32>
        %swap3A_220 = vector.shape_cast %add3A_215 : vector<16xf32> to vector<1x16xf32>
        tpu.vector_store %arg14[%swap3A_216, %swap3A_217], %swap3A_220 {add = true, strides = array<i32>} : memref<128x64xf32, #tpu.memory_space<vmem>>, vector<1x16xf32>,
        %get3A_221 = arith.index_cast %add3A_192 : i32 to index
        %get3A_222 = arith.constant 32 : index
        %get3A_223 = tpu.vector_load %arg10[%get3A_221, %get3A_222] {strides = array<i32>} : memref<128x64xf32, #tpu.memory_space<vmem>>, vector<1x16xf32>,
        %get3A_224 = vector.shape_cast %get3A_223 : vector<1x16xf32> to vector<16xf32>
        %get3A_225 = arith.index_cast %add3A_192 : i32 to index
        %get3A_226 = arith.constant 32 : index
        %get3A_227 = tpu.vector_load %arg11[%get3A_225, %get3A_226] {strides = array<i32>} : memref<128x64xf32, #tpu.memory_space<vmem>>, vector<1x16xf32>,
        %get3A_228 = vector.shape_cast %get3A_227 : vector<1x16xf32> to vector<16xf32>
        %add3A_229 = arith.addf %get3A_224, %get3A_228 : vector<16xf32>
        %swap3A_230 = arith.index_cast %add3A_192 : i32 to index
        %swap3A_231 = arith.constant 32 : index
        %swap3A_232 = tpu.vector_load %arg14[%swap3A_230, %swap3A_231] {strides = array<i32>} : memref<128x64xf32, #tpu.memory_space<vmem>>, vector<1x16xf32>,
        %swap3A_233 = vector.shape_cast %swap3A_232 : vector<1x16xf32> to vector<16xf32>
        %swap3A_234 = vector.shape_cast %add3A_229 : vector<16xf32> to vector<1x16xf32>
        tpu.vector_store %arg14[%swap3A_230, %swap3A_231], %swap3A_234 {add = true, strides = array<i32>} : memref<128x64xf32, #tpu.memory_space<vmem>>, vector<1x16xf32>,
        %get3A_235 = arith.index_cast %add3A_192 : i32 to index
        %get3A_236 = arith.constant 48 : index
        %get3A_237 = tpu.vector_load %arg10[%get3A_235, %get3A_236] {strides = array<i32>} : memref<128x64xf32, #tpu.memory_space<vmem>>, vector<1x16xf32>,
        %get3A_238 = vector.shape_cast %get3A_237 : vector<1x16xf32> to vector<16xf32>
        %get3A_239 = arith.index_cast %add3A_192 : i32 to index
        %get3A_240 = arith.constant 48 : index
        %get3A_241 = tpu.vector_load %arg11[%get3A_239, %get3A_240] {strides = array<i32>} : memref<128x64xf32, #tpu.memory_space<vmem>>, vector<1x16xf32>,
        %get3A_242 = vector.shape_cast %get3A_241 : vector<1x16xf32> to vector<16xf32>
        %add3A_243 = arith.addf %get3A_238, %get3A_242 : vector<16xf32>
        %swap3A_244 = arith.index_cast %add3A_192 : i32 to index
        %swap3A_245 = arith.constant 48 : index
        %swap3A_246 = tpu.vector_load %arg14[%swap3A_244, %swap3A_245] {strides = array<i32>} : memref<128x64xf32, #tpu.memory_space<vmem>>, vector<1x16xf32>,
        %swap3A_247 = vector.shape_cast %swap3A_246 : vector<1x16xf32> to vector<16xf32>
        %swap3A_248 = vector.shape_cast %add3A_243 : vector<16xf32> to vector<1x16xf32>
        tpu.vector_store %arg14[%swap3A_244, %swap3A_245], %swap3A_248 {add = true, strides = array<i32>} : memref<128x64xf32, #tpu.memory_space<vmem>>, vector<1x16xf32>,
        %mul3A_249 = arith.constant 4 : i32
        %mul3A_250 = arith.muli %scan3A_129, %mul3A_249 : i32
        %add3A_251 = arith.constant 2 : i32
        %add3A_252 = arith.addi %mul3A_250, %add3A_251 : i32
        %get3A_253 = arith.index_cast %add3A_252 : i32 to index
        %get3A_254 = arith.constant 0 : index
        %get3A_255 = tpu.vector_load %arg10[%get3A_253, %get3A_254] {strides = array<i32>} : memref<128x64xf32, #tpu.memory_space<vmem>>, vector<1x16xf32>,
        %get3A_256 = vector.shape_cast %get3A_255 : vector<1x16xf32> to vector<16xf32>
        %get3A_257 = arith.index_cast %add3A_252 : i32 to index
        %get3A_258 = arith.constant 0 : index
        %get3A_259 = tpu.vector_load %arg11[%get3A_257, %get3A_258] {strides = array<i32>} : memref<128x64xf32, #tpu.memory_space<vmem>>, vector<1x16xf32>,
        %get3A_260 = vector.shape_cast %get3A_259 : vector<1x16xf32> to vector<16xf32>
        %add3A_261 = arith.addf %get3A_256, %get3A_260 : vector<16xf32>
        %swap3A_262 = arith.index_cast %add3A_252 : i32 to index
        %swap3A_263 = arith.constant 0 : index
        %swap3A_264 = tpu.vector_load %arg14[%swap3A_262, %swap3A_263] {strides = array<i32>} : memref<128x64xf32, #tpu.memory_space<vmem>>, vector<1x16xf32>,
        %swap3A_265 = vector.shape_cast %swap3A_264 : vector<1x16xf32> to vector<16xf32>
        %swap3A_266 = vector.shape_cast %add3A_261 : vector<16xf32> to vector<1x16xf32>
        tpu.vector_store %arg14[%swap3A_262, %swap3A_263], %swap3A_266 {add = true, strides = array<i32>} : memref<128x64xf32, #tpu.memory_space<vmem>>, vector<1x16xf32>,
        %get3A_267 = arith.index_cast %add3A_252 : i32 to index
        %get3A_268 = arith.constant 16 : index
        %get3A_269 = tpu.vector_load %arg10[%get3A_267, %get3A_268] {strides = array<i32>} : memref<128x64xf32, #tpu.memory_space<vmem>>, vector<1x16xf32>,
        %get3A_270 = vector.shape_cast %get3A_269 : vector<1x16xf32> to vector<16xf32>
        %get3A_271 = arith.index_cast %add3A_252 : i32 to index
        %get3A_272 = arith.constant 16 : index
        %get3A_273 = tpu.vector_load %arg11[%get3A_271, %get3A_272] {strides = array<i32>} : memref<128x64xf32, #tpu.memory_space<vmem>>, vector<1x16xf32>,
        %get3A_274 = vector.shape_cast %get3A_273 : vector<1x16xf32> to vector<16xf32>
        %add3A_275 = arith.addf %get3A_270, %get3A_274 : vector<16xf32>
        %swap3A_276 = arith.index_cast %add3A_252 : i32 to index
        %swap3A_277 = arith.constant 16 : index
        %swap3A_278 = tpu.vector_load %arg14[%swap3A_276, %swap3A_277] {strides = array<i32>} : memref<128x64xf32, #tpu.memory_space<vmem>>, vector<1x16xf32>,
        %swap3A_279 = vector.shape_cast %swap3A_278 : vector<1x16xf32> to vector<16xf32>
        %swap3A_280 = vector.shape_cast %add3A_275 : vector<16xf32> to vector<1x16xf32>
        tpu.vector_store %arg14[%swap3A_276, %swap3A_277], %swap3A_280 {add = true, strides = array<i32>} : memref<128x64xf32, #tpu.memory_space<vmem>>, vector<1x16xf32>,
        %get3A_281 = arith.index_cast %add3A_252 : i32 to index
        %get3A_282 = arith.constant 32 : index
        %get3A_283 = tpu.vector_load %arg10[%get3A_281, %get3A_282] {strides = array<i32>} : memref<128x64xf32, #tpu.memory_space<vmem>>, vector<1x16xf32>,
        %get3A_284 = vector.shape_cast %get3A_283 : vector<1x16xf32> to vector<16xf32>
        %get3A_285 = arith.index_cast %add3A_252 : i32 to index
        %get3A_286 = arith.constant 32 : index
        %get3A_287 = tpu.vector_load %arg11[%get3A_285, %get3A_286] {strides = array<i32>} : memref<128x64xf32, #tpu.memory_space<vmem>>, vector<1x16xf32>,
        %get3A_288 = vector.shape_cast %get3A_287 : vector<1x16xf32> to vector<16xf32>
        %add3A_289 = arith.addf %get3A_284, %get3A_288 : vector<16xf32>
        %swap3A_290 = arith.index_cast %add3A_252 : i32 to index
        %swap3A_291 = arith.constant 32 : index
        %swap3A_292 = tpu.vector_load %arg14[%swap3A_290, %swap3A_291] {strides = array<i32>} : memref<128x64xf32, #tpu.memory_space<vmem>>, vector<1x16xf32>,
        %swap3A_293 = vector.shape_cast %swap3A_292 : vector<1x16xf32> to vector<16xf32>
        %swap3A_294 = vector.shape_cast %add3A_289 : vector<16xf32> to vector<1x16xf32>
        tpu.vector_store %arg14[%swap3A_290, %swap3A_291], %swap3A_294 {add = true, strides = array<i32>} : memref<128x64xf32, #tpu.memory_space<vmem>>, vector<1x16xf32>,
        %get3A_295 = arith.index_cast %add3A_252 : i32 to index
        %get3A_296 = arith.constant 48 : index
        %get3A_297 = tpu.vector_load %arg10[%get3A_295, %get3A_296] {strides = array<i32>} : memref<128x64xf32, #tpu.memory_space<vmem>>, vector<1x16xf32>,
        %get3A_298 = vector.shape_cast %get3A_297 : vector<1x16xf32> to vector<16xf32>
        %get3A_299 = arith.index_cast %add3A_252 : i32 to index
        %get3A_300 = arith.constant 48 : index
        %get3A_301 = tpu.vector_load %arg11[%get3A_299, %get3A_300] {strides = array<i32>} : memref<128x64xf32, #tpu.memory_space<vmem>>, vector<1x16xf32>,
        %get3A_302 = vector.shape_cast %get3A_301 : vector<1x16xf32> to vector<16xf32>
        %add3A_303 = arith.addf %get3A_298, %get3A_302 : vector<16xf32>
        %swap3A_304 = arith.index_cast %add3A_252 : i32 to index
        %swap3A_305 = arith.constant 48 : index
        %swap3A_306 = tpu.vector_load %arg14[%swap3A_304, %swap3A_305] {strides = array<i32>} : memref<128x64xf32, #tpu.memory_space<vmem>>, vector<1x16xf32>,
        %swap3A_307 = vector.shape_cast %swap3A_306 : vector<1x16xf32> to vector<16xf32>
        %swap3A_308 = vector.shape_cast %add3A_303 : vector<16xf32> to vector<1x16xf32>
        tpu.vector_store %arg14[%swap3A_304, %swap3A_305], %swap3A_308 {add = true, strides = array<i32>} : memref<128x64xf32, #tpu.memory_space<vmem>>, vector<1x16xf32>,
        %mul3A_309 = arith.constant 4 : i32
        %mul3A_310 = arith.muli %scan3A_129, %mul3A_309 : i32
        %add3A_311 = arith.constant 3 : i32
        %add3A_312 = arith.addi %mul3A_310, %add3A_311 : i32
        %get3A_313 = arith.index_cast %add3A_312 : i32 to index
        %get3A_314 = arith.constant 0 : index
        %get3A_315 = tpu.vector_load %arg10[%get3A_313, %get3A_314] {strides = array<i32>} : memref<128x64xf32, #tpu.memory_space<vmem>>, vector<1x16xf32>,
        %get3A_316 = vector.shape_cast %get3A_315 : vector<1x16xf32> to vector<16xf32>
        %get3A_317 = arith.index_cast %add3A_312 : i32 to index
        %get3A_318 = arith.constant 0 : index
        %get3A_319 = tpu.vector_load %arg11[%get3A_317, %get3A_318] {strides = array<i32>} : memref<128x64xf32, #tpu.memory_space<vmem>>, vector<1x16xf32>,
        %get3A_320 = vector.shape_cast %get3A_319 : vector<1x16xf32> to vector<16xf32>
        %add3A_321 = arith.addf %get3A_316, %get3A_320 : vector<16xf32>
        %swap3A_322 = arith.index_cast %add3A_312 : i32 to index
        %swap3A_323 = arith.constant 0 : index
        %swap3A_324 = tpu.vector_load %arg14[%swap3A_322, %swap3A_323] {strides = array<i32>} : memref<128x64xf32, #tpu.memory_space<vmem>>, vector<1x16xf32>,
        %swap3A_325 = vector.shape_cast %swap3A_324 : vector<1x16xf32> to vector<16xf32>
        %swap3A_326 = vector.shape_cast %add3A_321 : vector<16xf32> to vector<1x16xf32>
        tpu.vector_store %arg14[%swap3A_322, %swap3A_323], %swap3A_326 {add = true, strides = array<i32>} : memref<128x64xf32, #tpu.memory_space<vmem>>, vector<1x16xf32>,
        %get3A_327 = arith.index_cast %add3A_312 : i32 to index
        %get3A_328 = arith.constant 16 : index
        %get3A_329 = tpu.vector_load %arg10[%get3A_327, %get3A_328] {strides = array<i32>} : memref<128x64xf32, #tpu.memory_space<vmem>>, vector<1x16xf32>,
        %get3A_330 = vector.shape_cast %get3A_329 : vector<1x16xf32> to vector<16xf32>
        %get3A_331 = arith.index_cast %add3A_312 : i32 to index
        %get3A_332 = arith.constant 16 : index
        %get3A_333 = tpu.vector_load %arg11[%get3A_331, %get3A_332] {strides = array<i32>} : memref<128x64xf32, #tpu.memory_space<vmem>>, vector<1x16xf32>,
        %get3A_334 = vector.shape_cast %get3A_333 : vector<1x16xf32> to vector<16xf32>
        %add3A_335 = arith.addf %get3A_330, %get3A_334 : vector<16xf32>
        %swap3A_336 = arith.index_cast %add3A_312 : i32 to index
        %swap3A_337 = arith.constant 16 : index
        %swap3A_338 = tpu.vector_load %arg14[%swap3A_336, %swap3A_337] {strides = array<i32>} : memref<128x64xf32, #tpu.memory_space<vmem>>, vector<1x16xf32>,
        %swap3A_339 = vector.shape_cast %swap3A_338 : vector<1x16xf32> to vector<16xf32>
        %swap3A_340 = vector.shape_cast %add3A_335 : vector<16xf32> to vector<1x16xf32>
        tpu.vector_store %arg14[%swap3A_336, %swap3A_337], %swap3A_340 {add = true, strides = array<i32>} : memref<128x64xf32, #tpu.memory_space<vmem>>, vector<1x16xf32>,
        %get3A_341 = arith.index_cast %add3A_312 : i32 to index
        %get3A_342 = arith.constant 32 : index
        %get3A_343 = tpu.vector_load %arg10[%get3A_341, %get3A_342] {strides = array<i32>} : memref<128x64xf32, #tpu.memory_space<vmem>>, vector<1x16xf32>,
        %get3A_344 = vector.shape_cast %get3A_343 : vector<1x16xf32> to vector<16xf32>
        %get3A_345 = arith.index_cast %add3A_312 : i32 to index
        %get3A_346 = arith.constant 32 : index
        %get3A_347 = tpu.vector_load %arg11[%get3A_345, %get3A_346] {strides = array<i32>} : memref<128x64xf32, #tpu.memory_space<vmem>>, vector<1x16xf32>,
        %get3A_348 = vector.shape_cast %get3A_347 : vector<1x16xf32> to vector<16xf32>
        %add3A_349 = arith.addf %get3A_344, %get3A_348 : vector<16xf32>
        %swap3A_350 = arith.index_cast %add3A_312 : i32 to index
        %swap3A_351 = arith.constant 32 : index
        %swap3A_352 = tpu.vector_load %arg14[%swap3A_350, %swap3A_351] {strides = array<i32>} : memref<128x64xf32, #tpu.memory_space<vmem>>, vector<1x16xf32>,
        %swap3A_353 = vector.shape_cast %swap3A_352 : vector<1x16xf32> to vector<16xf32>
        %swap3A_354 = vector.shape_cast %add3A_349 : vector<16xf32> to vector<1x16xf32>
        tpu.vector_store %arg14[%swap3A_350, %swap3A_351], %swap3A_354 {add = true, strides = array<i32>} : memref<128x64xf32, #tpu.memory_space<vmem>>, vector<1x16xf32>,
        %get3A_355 = arith.index_cast %add3A_312 : i32 to index
        %get3A_356 = arith.constant 48 : index
        %get3A_357 = tpu.vector_load %arg10[%get3A_355, %get3A_356] {strides = array<i32>} : memref<128x64xf32, #tpu.memory_space<vmem>>, vector<1x16xf32>,
        %get3A_358 = vector.shape_cast %get3A_357 : vector<1x16xf32> to vector<16xf32>
        %get3A_359 = arith.index_cast %add3A_312 : i32 to index
        %get3A_360 = arith.constant 48 : index
        %get3A_361 = tpu.vector_load %arg11[%get3A_359, %get3A_360] {strides = array<i32>} : memref<128x64xf32, #tpu.memory_space<vmem>>, vector<1x16xf32>,
        %get3A_362 = vector.shape_cast %get3A_361 : vector<1x16xf32> to vector<16xf32>
        %add3A_363 = arith.addf %get3A_358, %get3A_362 : vector<16xf32>
        %swap3A_364 = arith.index_cast %add3A_312 : i32 to index
        %swap3A_365 = arith.constant 48 : index
        %swap3A_366 = tpu.vector_load %arg14[%swap3A_364, %swap3A_365] {strides = array<i32>} : memref<128x64xf32, #tpu.memory_space<vmem>>, vector<1x16xf32>,
        %swap3A_367 = vector.shape_cast %swap3A_366 : vector<1x16xf32> to vector<16xf32>
        %swap3A_368 = vector.shape_cast %add3A_363 : vector<16xf32> to vector<1x16xf32>
        tpu.vector_store %arg14[%swap3A_364, %swap3A_365], %swap3A_368 {add = true, strides = array<i32>} : memref<128x64xf32, #tpu.memory_space<vmem>>, vector<1x16xf32>,
      }
      %scan3A_104 = arith.constant 32 : i32
      %add3A_105 = arith.constant 2 : i32
      %add3A_106 = arith.addi %mul3A_73, %add3A_105 : i32
      %lt3A = arith.constant 50 : i32
      %lt3A_107 = arith.cmpi slt, %add3A_106, %lt3A : i32
      %convert_element_type3A = arith.extui %lt3A_107 : i1 to i32
      %cond3A = arith.constant 0 : i32
      %cond3A_108 = arith.cmpi ne, %convert_element_type3A, %cond3A : i32
      scf.if %cond3A_108 {
        %add3A_129 = arith.constant 2 : i32
        %add3A_130 = arith.addi %mul3A_73, %add3A_129 : i32
        %dma_start3A_131 = arith.constant 0 : i32
        %dma_start3A_132 = tpu.memref_slice %arg8[%add3A_130, %dma_start3A_131] : memref<56x128xi32, #tpu.memory_space<vmem>> -> memref<1x128xi32, #tpu.memory_space<vmem>>
        %dma_start3A_133 = tpu.memref_squeeze %dma_start3A_132 : memref<1x128xi32, #tpu.memory_space<vmem>> -> memref<128xi32, #tpu.memory_space<vmem>>
        %dma_start3A_134 = arith.constant 0 : i32
        %dma_start3A_135 = arith.constant 0 : i32
        %dma_start3A_136 = tpu.memref_slice %arg4[%dma_start3A_134, %dma_start3A_135] : memref<100000x64xf32, #tpu.memory_space<hbm>> -> memref<100000x64xf32, #tpu.memory_space<hbm>>
        tpu.enqueue_indirect_dma source(%dma_start3A_136 : memref<100000x64xf32, #tpu.memory_space<hbm>>) target(%arg10 : memref<128x64xf32, #tpu.memory_space<vmem>>) offsets(%dma_start3A_133 : memref<128xi32, #tpu.memory_space<vmem>>) semaphore(%arg16 : memref<!tpu.dma_semaphore, #tpu.memory_space<semaphore_mem>>)
        %dma_start3A_137 = arith.constant 0 : i32
        %dma_start3A_138 = tpu.memref_slice %arg9[%add3A_130, %dma_start3A_137] : memref<56x128xi32, #tpu.memory_space<vmem>> -> memref<1x128xi32, #tpu.memory_space<vmem>>
        %dma_start3A_139 = tpu.memref_squeeze %dma_start3A_138 : memref<1x128xi32, #tpu.memory_space<vmem>> -> memref<128xi32, #tpu.memory_space<vmem>>
        %dma_start3A_140 = arith.constant 0 : i32
        %dma_start3A_141 = arith.constant 0 : i32
        %dma_start3A_142 = tpu.memref_slice %arg5[%dma_start3A_140, %dma_start3A_141] : memref<100000x64xf32, #tpu.memory_space<hbm>> -> memref<100000x64xf32, #tpu.memory_space<hbm>>
        tpu.enqueue_indirect_dma source(%dma_start3A_142 : memref<100000x64xf32, #tpu.memory_space<hbm>>) target(%arg11 : memref<128x64xf32, #tpu.memory_space<vmem>>) offsets(%dma_start3A_139 : memref<128xi32, #tpu.memory_space<vmem>>) semaphore(%arg16 : memref<!tpu.dma_semaphore, #tpu.memory_space<semaphore_mem>>)
      } else {
      }
      %add3A_109 = arith.constant 1 : i32
      %add3A_110 = arith.addi %mul3A_73, %add3A_109 : i32
      %dma_wait3A_111 = arith.constant 0 : i32
      %dma_wait3A_112 = tpu.memref_slice %arg8[%add3A_110, %dma_wait3A_111] : memref<56x128xi32, #tpu.memory_space<vmem>> -> memref<1x128xi32, #tpu.memory_space<vmem>>
      %dma_wait3A_113 = tpu.memref_squeeze %dma_wait3A_112 : memref<1x128xi32, #tpu.memory_space<vmem>> -> memref<128xi32, #tpu.memory_space<vmem>>
      %dma_wait3A_114 = arith.constant 0 : i32
      %dma_wait3A_115 = arith.constant 0 : i32
      %dma_wait3A_116 = tpu.memref_slice %arg4[%dma_wait3A_114, %dma_wait3A_115] : memref<100000x64xf32, #tpu.memory_space<hbm>> -> memref<100000x64xf32, #tpu.memory_space<hbm>>
      tpu.wait_indirect_dma semaphore(%arg17 : memref<!tpu.dma_semaphore, #tpu.memory_space<semaphore_mem>>) src(%dma_wait3A_116 : memref<100000x64xf32, #tpu.memory_space<hbm>>) dst(%arg12 : memref<128x64xf32, #tpu.memory_space<vmem>>)
      %dma_wait3A_117 = arith.constant 0 : i32
      %dma_wait3A_118 = tpu.memref_slice %arg9[%add3A_110, %dma_wait3A_117] : memref<56x128xi32, #tpu.memory_space<vmem>> -> memref<1x128xi32, #tpu.memory_space<vmem>>
      %dma_wait3A_119 = tpu.memref_squeeze %dma_wait3A_118 : memref<1x128xi32, #tpu.memory_space<vmem>> -> memref<128xi32, #tpu.memory_space<vmem>>
      %dma_wait3A_120 = arith.constant 0 : i32
      %dma_wait3A_121 = arith.constant 0 : i32
      %dma_wait3A_122 = tpu.memref_slice %arg5[%dma_wait3A_120, %dma_wait3A_121] : memref<100000x64xf32, #tpu.memory_space<hbm>> -> memref<100000x64xf32, #tpu.memory_space<hbm>>
      tpu.wait_indirect_dma semaphore(%arg17 : memref<!tpu.dma_semaphore, #tpu.memory_space<semaphore_mem>>) src(%dma_wait3A_122 : memref<100000x64xf32, #tpu.memory_space<hbm>>) dst(%arg13 : memref<128x64xf32, #tpu.memory_space<vmem>>)
      %scan3A_123 = arith.constant 0 : i32
      %scan3A_124 = arith.constant 0 : i32
      %scan3A_125 = arith.constant 32 : i32
      %scan3A_126 = arith.addi %scan3A_124, %scan3A_125 : i32
      %scan3A_127 = arith.constant 1 : i32
      scf.for %scan3A_129 = %scan3A_124 to %scan3A_126 step %scan3A_127  : i32 {
        %mul3A_130 = arith.constant 4 : i32
        %mul3A_131 = arith.muli %scan3A_129, %mul3A_130 : i32
        %add3A_132 = arith.constant 0 : i32
        %add3A_133 = arith.addi %mul3A_131, %add3A_132 : i32
        %get3A = arith.index_cast %add3A_133 : i32 to index
        %get3A_134 = arith.constant 0 : index
        %get3A_135 = tpu.vector_load %arg12[%get3A, %get3A_134] {strides = array<i32>} : memref<128x64xf32, #tpu.memory_space<vmem>>, vector<1x16xf32>,
        %get3A_136 = vector.shape_cast %get3A_135 : vector<1x16xf32> to vector<16xf32>
        %get3A_137 = arith.index_cast %add3A_133 : i32 to index
        %get3A_138 = arith.constant 0 : index
        %get3A_139 = tpu.vector_load %arg13[%get3A_137, %get3A_138] {strides = array<i32>} : memref<128x64xf32, #tpu.memory_space<vmem>>, vector<1x16xf32>,
        %get3A_140 = vector.shape_cast %get3A_139 : vector<1x16xf32> to vector<16xf32>
        %add3A_141 = arith.addf %get3A_136, %get3A_140 : vector<16xf32>
        %swap3A_142 = arith.index_cast %add3A_133 : i32 to index
        %swap3A_143 = arith.constant 0 : index
        %swap3A_144 = tpu.vector_load %arg14[%swap3A_142, %swap3A_143] {strides = array<i32>} : memref<128x64xf32, #tpu.memory_space<vmem>>, vector<1x16xf32>,
        %swap3A_145 = vector.shape_cast %swap3A_144 : vector<1x16xf32> to vector<16xf32>
        %swap3A_146 = vector.shape_cast %add3A_141 : vector<16xf32> to vector<1x16xf32>
        tpu.vector_store %arg14[%swap3A_142, %swap3A_143], %swap3A_146 {add = true, strides = array<i32>} : memref<128x64xf32, #tpu.memory_space<vmem>>, vector<1x16xf32>,
        %get3A_147 = arith.index_cast %add3A_133 : i32 to index
        %get3A_148 = arith.constant 16 : index
        %get3A_149 = tpu.vector_load %arg12[%get3A_147, %get3A_148] {strides = array<i32>} : memref<128x64xf32, #tpu.memory_space<vmem>>, vector<1x16xf32>,
        %get3A_150 = vector.shape_cast %get3A_149 : vector<1x16xf32> to vector<16xf32>
        %get3A_151 = arith.index_cast %add3A_133 : i32 to index
        %get3A_152 = arith.constant 16 : index
        %get3A_153 = tpu.vector_load %arg13[%get3A_151, %get3A_152] {strides = array<i32>} : memref<128x64xf32, #tpu.memory_space<vmem>>, vector<1x16xf32>,
        %get3A_154 = vector.shape_cast %get3A_153 : vector<1x16xf32> to vector<16xf32>
        %add3A_155 = arith.addf %get3A_150, %get3A_154 : vector<16xf32>
        %swap3A_156 = arith.index_cast %add3A_133 : i32 to index
        %swap3A_157 = arith.constant 16 : index
        %swap3A_158 = tpu.vector_load %arg14[%swap3A_156, %swap3A_157] {strides = array<i32>} : memref<128x64xf32, #tpu.memory_space<vmem>>, vector<1x16xf32>,
        %swap3A_159 = vector.shape_cast %swap3A_158 : vector<1x16xf32> to vector<16xf32>
        %swap3A_160 = vector.shape_cast %add3A_155 : vector<16xf32> to vector<1x16xf32>
        tpu.vector_store %arg14[%swap3A_156, %swap3A_157], %swap3A_160 {add = true, strides = array<i32>} : memref<128x64xf32, #tpu.memory_space<vmem>>, vector<1x16xf32>,
        %get3A_161 = arith.index_cast %add3A_133 : i32 to index
        %get3A_162 = arith.constant 32 : index
        %get3A_163 = tpu.vector_load %arg12[%get3A_161, %get3A_162] {strides = array<i32>} : memref<128x64xf32, #tpu.memory_space<vmem>>, vector<1x16xf32>,
        %get3A_164 = vector.shape_cast %get3A_163 : vector<1x16xf32> to vector<16xf32>
        %get3A_165 = arith.index_cast %add3A_133 : i32 to index
        %get3A_166 = arith.constant 32 : index
        %get3A_167 = tpu.vector_load %arg13[%get3A_165, %get3A_166] {strides = array<i32>} : memref<128x64xf32, #tpu.memory_space<vmem>>, vector<1x16xf32>,
        %get3A_168 = vector.shape_cast %get3A_167 : vector<1x16xf32> to vector<16xf32>
        %add3A_169 = arith.addf %get3A_164, %get3A_168 : vector<16xf32>
        %swap3A_170 = arith.index_cast %add3A_133 : i32 to index
        %swap3A_171 = arith.constant 32 : index
        %swap3A_172 = tpu.vector_load %arg14[%swap3A_170, %swap3A_171] {strides = array<i32>} : memref<128x64xf32, #tpu.memory_space<vmem>>, vector<1x16xf32>,
        %swap3A_173 = vector.shape_cast %swap3A_172 : vector<1x16xf32> to vector<16xf32>
        %swap3A_174 = vector.shape_cast %add3A_169 : vector<16xf32> to vector<1x16xf32>
        tpu.vector_store %arg14[%swap3A_170, %swap3A_171], %swap3A_174 {add = true, strides = array<i32>} : memref<128x64xf32, #tpu.memory_space<vmem>>, vector<1x16xf32>,
        %get3A_175 = arith.index_cast %add3A_133 : i32 to index
        %get3A_176 = arith.constant 48 : index
        %get3A_177 = tpu.vector_load %arg12[%get3A_175, %get3A_176] {strides = array<i32>} : memref<128x64xf32, #tpu.memory_space<vmem>>, vector<1x16xf32>,
        %get3A_178 = vector.shape_cast %get3A_177 : vector<1x16xf32> to vector<16xf32>
        %get3A_179 = arith.index_cast %add3A_133 : i32 to index
        %get3A_180 = arith.constant 48 : index
        %get3A_181 = tpu.vector_load %arg13[%get3A_179, %get3A_180] {strides = array<i32>} : memref<128x64xf32, #tpu.memory_space<vmem>>, vector<1x16xf32>,
        %get3A_182 = vector.shape_cast %get3A_181 : vector<1x16xf32> to vector<16xf32>
        %add3A_183 = arith.addf %get3A_178, %get3A_182 : vector<16xf32>
        %swap3A_184 = arith.index_cast %add3A_133 : i32 to index
        %swap3A_185 = arith.constant 48 : index
        %swap3A_186 = tpu.vector_load %arg14[%swap3A_184, %swap3A_185] {strides = array<i32>} : memref<128x64xf32, #tpu.memory_space<vmem>>, vector<1x16xf32>,
        %swap3A_187 = vector.shape_cast %swap3A_186 : vector<1x16xf32> to vector<16xf32>
        %swap3A_188 = vector.shape_cast %add3A_183 : vector<16xf32> to vector<1x16xf32>
        tpu.vector_store %arg14[%swap3A_184, %swap3A_185], %swap3A_188 {add = true, strides = array<i32>} : memref<128x64xf32, #tpu.memory_space<vmem>>, vector<1x16xf32>,
        %mul3A_189 = arith.constant 4 : i32
        %mul3A_190 = arith.muli %scan3A_129, %mul3A_189 : i32
        %add3A_191 = arith.constant 1 : i32
        %add3A_192 = arith.addi %mul3A_190, %add3A_191 : i32
        %get3A_193 = arith.index_cast %add3A_192 : i32 to index
        %get3A_194 = arith.constant 0 : index
        %get3A_195 = tpu.vector_load %arg12[%get3A_193, %get3A_194] {strides = array<i32>} : memref<128x64xf32, #tpu.memory_space<vmem>>, vector<1x16xf32>,
        %get3A_196 = vector.shape_cast %get3A_195 : vector<1x16xf32> to vector<16xf32>
        %get3A_197 = arith.index_cast %add3A_192 : i32 to index
        %get3A_198 = arith.constant 0 : index
        %get3A_199 = tpu.vector_load %arg13[%get3A_197, %get3A_198] {strides = array<i32>} : memref<128x64xf32, #tpu.memory_space<vmem>>, vector<1x16xf32>,
        %get3A_200 = vector.shape_cast %get3A_199 : vector<1x16xf32> to vector<16xf32>
        %add3A_201 = arith.addf %get3A_196, %get3A_200 : vector<16xf32>
        %swap3A_202 = arith.index_cast %add3A_192 : i32 to index
        %swap3A_203 = arith.constant 0 : index
        %swap3A_204 = tpu.vector_load %arg14[%swap3A_202, %swap3A_203] {strides = array<i32>} : memref<128x64xf32, #tpu.memory_space<vmem>>, vector<1x16xf32>,
        %swap3A_205 = vector.shape_cast %swap3A_204 : vector<1x16xf32> to vector<16xf32>
        %swap3A_206 = vector.shape_cast %add3A_201 : vector<16xf32> to vector<1x16xf32>
        tpu.vector_store %arg14[%swap3A_202, %swap3A_203], %swap3A_206 {add = true, strides = array<i32>} : memref<128x64xf32, #tpu.memory_space<vmem>>, vector<1x16xf32>,
        %get3A_207 = arith.index_cast %add3A_192 : i32 to index
        %get3A_208 = arith.constant 16 : index
        %get3A_209 = tpu.vector_load %arg12[%get3A_207, %get3A_208] {strides = array<i32>} : memref<128x64xf32, #tpu.memory_space<vmem>>, vector<1x16xf32>,
        %get3A_210 = vector.shape_cast %get3A_209 : vector<1x16xf32> to vector<16xf32>
        %get3A_211 = arith.index_cast %add3A_192 : i32 to index
        %get3A_212 = arith.constant 16 : index
        %get3A_213 = tpu.vector_load %arg13[%get3A_211, %get3A_212] {strides = array<i32>} : memref<128x64xf32, #tpu.memory_space<vmem>>, vector<1x16xf32>,
        %get3A_214 = vector.shape_cast %get3A_213 : vector<1x16xf32> to vector<16xf32>
        %add3A_215 = arith.addf %get3A_210, %get3A_214 : vector<16xf32>
        %swap3A_216 = arith.index_cast %add3A_192 : i32 to index
        %swap3A_217 = arith.constant 16 : index
        %swap3A_218 = tpu.vector_load %arg14[%swap3A_216, %swap3A_217] {strides = array<i32>} : memref<128x64xf32, #tpu.memory_space<vmem>>, vector<1x16xf32>,
        %swap3A_219 = vector.shape_cast %swap3A_218 : vector<1x16xf32> to vector<16xf32>
        %swap3A_220 = vector.shape_cast %add3A_215 : vector<16xf32> to vector<1x16xf32>
        tpu.vector_store %arg14[%swap3A_216, %swap3A_217], %swap3A_220 {add = true, strides = array<i32>} : memref<128x64xf32, #tpu.memory_space<vmem>>, vector<1x16xf32>,
        %get3A_221 = arith.index_cast %add3A_192 : i32 to index
        %get3A_222 = arith.constant 32 : index
        %get3A_223 = tpu.vector_load %arg12[%get3A_221, %get3A_222] {strides = array<i32>} : memref<128x64xf32, #tpu.memory_space<vmem>>, vector<1x16xf32>,
        %get3A_224 = vector.shape_cast %get3A_223 : vector<1x16xf32> to vector<16xf32>
        %get3A_225 = arith.index_cast %add3A_192 : i32 to index
        %get3A_226 = arith.constant 32 : index
        %get3A_227 = tpu.vector_load %arg13[%get3A_225, %get3A_226] {strides = array<i32>} : memref<128x64xf32, #tpu.memory_space<vmem>>, vector<1x16xf32>,
        %get3A_228 = vector.shape_cast %get3A_227 : vector<1x16xf32> to vector<16xf32>
        %add3A_229 = arith.addf %get3A_224, %get3A_228 : vector<16xf32>
        %swap3A_230 = arith.index_cast %add3A_192 : i32 to index
        %swap3A_231 = arith.constant 32 : index
        %swap3A_232 = tpu.vector_load %arg14[%swap3A_230, %swap3A_231] {strides = array<i32>} : memref<128x64xf32, #tpu.memory_space<vmem>>, vector<1x16xf32>,
        %swap3A_233 = vector.shape_cast %swap3A_232 : vector<1x16xf32> to vector<16xf32>
        %swap3A_234 = vector.shape_cast %add3A_229 : vector<16xf32> to vector<1x16xf32>
        tpu.vector_store %arg14[%swap3A_230, %swap3A_231], %swap3A_234 {add = true, strides = array<i32>} : memref<128x64xf32, #tpu.memory_space<vmem>>, vector<1x16xf32>,
        %get3A_235 = arith.index_cast %add3A_192 : i32 to index
        %get3A_236 = arith.constant 48 : index
        %get3A_237 = tpu.vector_load %arg12[%get3A_235, %get3A_236] {strides = array<i32>} : memref<128x64xf32, #tpu.memory_space<vmem>>, vector<1x16xf32>,
        %get3A_238 = vector.shape_cast %get3A_237 : vector<1x16xf32> to vector<16xf32>
        %get3A_239 = arith.index_cast %add3A_192 : i32 to index
        %get3A_240 = arith.constant 48 : index
        %get3A_241 = tpu.vector_load %arg13[%get3A_239, %get3A_240] {strides = array<i32>} : memref<128x64xf32, #tpu.memory_space<vmem>>, vector<1x16xf32>,
        %get3A_242 = vector.shape_cast %get3A_241 : vector<1x16xf32> to vector<16xf32>
        %add3A_243 = arith.addf %get3A_238, %get3A_242 : vector<16xf32>
        %swap3A_244 = arith.index_cast %add3A_192 : i32 to index
        %swap3A_245 = arith.constant 48 : index
        %swap3A_246 = tpu.vector_load %arg14[%swap3A_244, %swap3A_245] {strides = array<i32>} : memref<128x64xf32, #tpu.memory_space<vmem>>, vector<1x16xf32>,
        %swap3A_247 = vector.shape_cast %swap3A_246 : vector<1x16xf32> to vector<16xf32>
        %swap3A_248 = vector.shape_cast %add3A_243 : vector<16xf32> to vector<1x16xf32>
        tpu.vector_store %arg14[%swap3A_244, %swap3A_245], %swap3A_248 {add = true, strides = array<i32>} : memref<128x64xf32, #tpu.memory_space<vmem>>, vector<1x16xf32>,
        %mul3A_249 = arith.constant 4 : i32
        %mul3A_250 = arith.muli %scan3A_129, %mul3A_249 : i32
        %add3A_251 = arith.constant 2 : i32
        %add3A_252 = arith.addi %mul3A_250, %add3A_251 : i32
        %get3A_253 = arith.index_cast %add3A_252 : i32 to index
        %get3A_254 = arith.constant 0 : index
        %get3A_255 = tpu.vector_load %arg12[%get3A_253, %get3A_254] {strides = array<i32>} : memref<128x64xf32, #tpu.memory_space<vmem>>, vector<1x16xf32>,
        %get3A_256 = vector.shape_cast %get3A_255 : vector<1x16xf32> to vector<16xf32>
        %get3A_257 = arith.index_cast %add3A_252 : i32 to index
        %get3A_258 = arith.constant 0 : index
        %get3A_259 = tpu.vector_load %arg13[%get3A_257, %get3A_258] {strides = array<i32>} : memref<128x64xf32, #tpu.memory_space<vmem>>, vector<1x16xf32>,
        %get3A_260 = vector.shape_cast %get3A_259 : vector<1x16xf32> to vector<16xf32>
        %add3A_261 = arith.addf %get3A_256, %get3A_260 : vector<16xf32>
        %swap3A_262 = arith.index_cast %add3A_252 : i32 to index
        %swap3A_263 = arith.constant 0 : index
        %swap3A_264 = tpu.vector_load %arg14[%swap3A_262, %swap3A_263] {strides = array<i32>} : memref<128x64xf32, #tpu.memory_space<vmem>>, vector<1x16xf32>,
        %swap3A_265 = vector.shape_cast %swap3A_264 : vector<1x16xf32> to vector<16xf32>
        %swap3A_266 = vector.shape_cast %add3A_261 : vector<16xf32> to vector<1x16xf32>
        tpu.vector_store %arg14[%swap3A_262, %swap3A_263], %swap3A_266 {add = true, strides = array<i32>} : memref<128x64xf32, #tpu.memory_space<vmem>>, vector<1x16xf32>,
        %get3A_267 = arith.index_cast %add3A_252 : i32 to index
        %get3A_268 = arith.constant 16 : index
        %get3A_269 = tpu.vector_load %arg12[%get3A_267, %get3A_268] {strides = array<i32>} : memref<128x64xf32, #tpu.memory_space<vmem>>, vector<1x16xf32>,
        %get3A_270 = vector.shape_cast %get3A_269 : vector<1x16xf32> to vector<16xf32>
        %get3A_271 = arith.index_cast %add3A_252 : i32 to index
        %get3A_272 = arith.constant 16 : index
        %get3A_273 = tpu.vector_load %arg13[%get3A_271, %get3A_272] {strides = array<i32>} : memref<128x64xf32, #tpu.memory_space<vmem>>, vector<1x16xf32>,
        %get3A_274 = vector.shape_cast %get3A_273 : vector<1x16xf32> to vector<16xf32>
        %add3A_275 = arith.addf %get3A_270, %get3A_274 : vector<16xf32>
        %swap3A_276 = arith.index_cast %add3A_252 : i32 to index
        %swap3A_277 = arith.constant 16 : index
        %swap3A_278 = tpu.vector_load %arg14[%swap3A_276, %swap3A_277] {strides = array<i32>} : memref<128x64xf32, #tpu.memory_space<vmem>>, vector<1x16xf32>,
        %swap3A_279 = vector.shape_cast %swap3A_278 : vector<1x16xf32> to vector<16xf32>
        %swap3A_280 = vector.shape_cast %add3A_275 : vector<16xf32> to vector<1x16xf32>
        tpu.vector_store %arg14[%swap3A_276, %swap3A_277], %swap3A_280 {add = true, strides = array<i32>} : memref<128x64xf32, #tpu.memory_space<vmem>>, vector<1x16xf32>,
        %get3A_281 = arith.index_cast %add3A_252 : i32 to index
        %get3A_282 = arith.constant 32 : index
        %get3A_283 = tpu.vector_load %arg12[%get3A_281, %get3A_282] {strides = array<i32>} : memref<128x64xf32, #tpu.memory_space<vmem>>, vector<1x16xf32>,
        %get3A_284 = vector.shape_cast %get3A_283 : vector<1x16xf32> to vector<16xf32>
        %get3A_285 = arith.index_cast %add3A_252 : i32 to index
        %get3A_286 = arith.constant 32 : index
        %get3A_287 = tpu.vector_load %arg13[%get3A_285, %get3A_286] {strides = array<i32>} : memref<128x64xf32, #tpu.memory_space<vmem>>, vector<1x16xf32>,
        %get3A_288 = vector.shape_cast %get3A_287 : vector<1x16xf32> to vector<16xf32>
        %add3A_289 = arith.addf %get3A_284, %get3A_288 : vector<16xf32>
        %swap3A_290 = arith.index_cast %add3A_252 : i32 to index
        %swap3A_291 = arith.constant 32 : index
        %swap3A_292 = tpu.vector_load %arg14[%swap3A_290, %swap3A_291] {strides = array<i32>} : memref<128x64xf32, #tpu.memory_space<vmem>>, vector<1x16xf32>,
        %swap3A_293 = vector.shape_cast %swap3A_292 : vector<1x16xf32> to vector<16xf32>
        %swap3A_294 = vector.shape_cast %add3A_289 : vector<16xf32> to vector<1x16xf32>
        tpu.vector_store %arg14[%swap3A_290, %swap3A_291], %swap3A_294 {add = true, strides = array<i32>} : memref<128x64xf32, #tpu.memory_space<vmem>>, vector<1x16xf32>,
        %get3A_295 = arith.index_cast %add3A_252 : i32 to index
        %get3A_296 = arith.constant 48 : index
        %get3A_297 = tpu.vector_load %arg12[%get3A_295, %get3A_296] {strides = array<i32>} : memref<128x64xf32, #tpu.memory_space<vmem>>, vector<1x16xf32>,
        %get3A_298 = vector.shape_cast %get3A_297 : vector<1x16xf32> to vector<16xf32>
        %get3A_299 = arith.index_cast %add3A_252 : i32 to index
        %get3A_300 = arith.constant 48 : index
        %get3A_301 = tpu.vector_load %arg13[%get3A_299, %get3A_300] {strides = array<i32>} : memref<128x64xf32, #tpu.memory_space<vmem>>, vector<1x16xf32>,
        %get3A_302 = vector.shape_cast %get3A_301 : vector<1x16xf32> to vector<16xf32>
        %add3A_303 = arith.addf %get3A_298, %get3A_302 : vector<16xf32>
        %swap3A_304 = arith.index_cast %add3A_252 : i32 to index
        %swap3A_305 = arith.constant 48 : index
        %swap3A_306 = tpu.vector_load %arg14[%swap3A_304, %swap3A_305] {strides = array<i32>} : memref<128x64xf32, #tpu.memory_space<vmem>>, vector<1x16xf32>,
        %swap3A_307 = vector.shape_cast %swap3A_306 : vector<1x16xf32> to vector<16xf32>
        %swap3A_308 = vector.shape_cast %add3A_303 : vector<16xf32> to vector<1x16xf32>
        tpu.vector_store %arg14[%swap3A_304, %swap3A_305], %swap3A_308 {add = true, strides = array<i32>} : memref<128x64xf32, #tpu.memory_space<vmem>>, vector<1x16xf32>,
        %mul3A_309 = arith.constant 4 : i32
        %mul3A_310 = arith.muli %scan3A_129, %mul3A_309 : i32
        %add3A_311 = arith.constant 3 : i32
        %add3A_312 = arith.addi %mul3A_310, %add3A_311 : i32
        %get3A_313 = arith.index_cast %add3A_312 : i32 to index
        %get3A_314 = arith.constant 0 : index
        %get3A_315 = tpu.vector_load %arg12[%get3A_313, %get3A_314] {strides = array<i32>} : memref<128x64xf32, #tpu.memory_space<vmem>>, vector<1x16xf32>,
        %get3A_316 = vector.shape_cast %get3A_315 : vector<1x16xf32> to vector<16xf32>
        %get3A_317 = arith.index_cast %add3A_312 : i32 to index
        %get3A_318 = arith.constant 0 : index
        %get3A_319 = tpu.vector_load %arg13[%get3A_317, %get3A_318] {strides = array<i32>} : memref<128x64xf32, #tpu.memory_space<vmem>>, vector<1x16xf32>,
        %get3A_320 = vector.shape_cast %get3A_319 : vector<1x16xf32> to vector<16xf32>
        %add3A_321 = arith.addf %get3A_316, %get3A_320 : vector<16xf32>
        %swap3A_322 = arith.index_cast %add3A_312 : i32 to index
        %swap3A_323 = arith.constant 0 : index
        %swap3A_324 = tpu.vector_load %arg14[%swap3A_322, %swap3A_323] {strides = array<i32>} : memref<128x64xf32, #tpu.memory_space<vmem>>, vector<1x16xf32>,
        %swap3A_325 = vector.shape_cast %swap3A_324 : vector<1x16xf32> to vector<16xf32>
        %swap3A_326 = vector.shape_cast %add3A_321 : vector<16xf32> to vector<1x16xf32>
        tpu.vector_store %arg14[%swap3A_322, %swap3A_323], %swap3A_326 {add = true, strides = array<i32>} : memref<128x64xf32, #tpu.memory_space<vmem>>, vector<1x16xf32>,
        %get3A_327 = arith.index_cast %add3A_312 : i32 to index
        %get3A_328 = arith.constant 16 : index
        %get3A_329 = tpu.vector_load %arg12[%get3A_327, %get3A_328] {strides = array<i32>} : memref<128x64xf32, #tpu.memory_space<vmem>>, vector<1x16xf32>,
        %get3A_330 = vector.shape_cast %get3A_329 : vector<1x16xf32> to vector<16xf32>
        %get3A_331 = arith.index_cast %add3A_312 : i32 to index
        %get3A_332 = arith.constant 16 : index
        %get3A_333 = tpu.vector_load %arg13[%get3A_331, %get3A_332] {strides = array<i32>} : memref<128x64xf32, #tpu.memory_space<vmem>>, vector<1x16xf32>,
        %get3A_334 = vector.shape_cast %get3A_333 : vector<1x16xf32> to vector<16xf32>
        %add3A_335 = arith.addf %get3A_330, %get3A_334 : vector<16xf32>
        %swap3A_336 = arith.index_cast %add3A_312 : i32 to index
        %swap3A_337 = arith.constant 16 : index
        %swap3A_338 = tpu.vector_load %arg14[%swap3A_336, %swap3A_337] {strides = array<i32>} : memref<128x64xf32, #tpu.memory_space<vmem>>, vector<1x16xf32>,
        %swap3A_339 = vector.shape_cast %swap3A_338 : vector<1x16xf32> to vector<16xf32>
        %swap3A_340 = vector.shape_cast %add3A_335 : vector<16xf32> to vector<1x16xf32>
        tpu.vector_store %arg14[%swap3A_336, %swap3A_337], %swap3A_340 {add = true, strides = array<i32>} : memref<128x64xf32, #tpu.memory_space<vmem>>, vector<1x16xf32>,
        %get3A_341 = arith.index_cast %add3A_312 : i32 to index
        %get3A_342 = arith.constant 32 : index
        %get3A_343 = tpu.vector_load %arg12[%get3A_341, %get3A_342] {strides = array<i32>} : memref<128x64xf32, #tpu.memory_space<vmem>>, vector<1x16xf32>,
        %get3A_344 = vector.shape_cast %get3A_343 : vector<1x16xf32> to vector<16xf32>
        %get3A_345 = arith.index_cast %add3A_312 : i32 to index
        %get3A_346 = arith.constant 32 : index
        %get3A_347 = tpu.vector_load %arg13[%get3A_345, %get3A_346] {strides = array<i32>} : memref<128x64xf32, #tpu.memory_space<vmem>>, vector<1x16xf32>,
        %get3A_348 = vector.shape_cast %get3A_347 : vector<1x16xf32> to vector<16xf32>
        %add3A_349 = arith.addf %get3A_344, %get3A_348 : vector<16xf32>
        %swap3A_350 = arith.index_cast %add3A_312 : i32 to index
        %swap3A_351 = arith.constant 32 : index
        %swap3A_352 = tpu.vector_load %arg14[%swap3A_350, %swap3A_351] {strides = array<i32>} : memref<128x64xf32, #tpu.memory_space<vmem>>, vector<1x16xf32>,
        %swap3A_353 = vector.shape_cast %swap3A_352 : vector<1x16xf32> to vector<16xf32>
        %swap3A_354 = vector.shape_cast %add3A_349 : vector<16xf32> to vector<1x16xf32>
        tpu.vector_store %arg14[%swap3A_350, %swap3A_351], %swap3A_354 {add = true, strides = array<i32>} : memref<128x64xf32, #tpu.memory_space<vmem>>, vector<1x16xf32>,
        %get3A_355 = arith.index_cast %add3A_312 : i32 to index
        %get3A_356 = arith.constant 48 : index
        %get3A_357 = tpu.vector_load %arg12[%get3A_355, %get3A_356] {strides = array<i32>} : memref<128x64xf32, #tpu.memory_space<vmem>>, vector<1x16xf32>,
        %get3A_358 = vector.shape_cast %get3A_357 : vector<1x16xf32> to vector<16xf32>
        %get3A_359 = arith.index_cast %add3A_312 : i32 to index
        %get3A_360 = arith.constant 48 : index
        %get3A_361 = tpu.vector_load %arg13[%get3A_359, %get3A_360] {strides = array<i32>} : memref<128x64xf32, #tpu.memory_space<vmem>>, vector<1x16xf32>,
        %get3A_362 = vector.shape_cast %get3A_361 : vector<1x16xf32> to vector<16xf32>
        %add3A_363 = arith.addf %get3A_358, %get3A_362 : vector<16xf32>
        %swap3A_364 = arith.index_cast %add3A_312 : i32 to index
        %swap3A_365 = arith.constant 48 : index
        %swap3A_366 = tpu.vector_load %arg14[%swap3A_364, %swap3A_365] {strides = array<i32>} : memref<128x64xf32, #tpu.memory_space<vmem>>, vector<1x16xf32>,
        %swap3A_367 = vector.shape_cast %swap3A_366 : vector<1x16xf32> to vector<16xf32>
        %swap3A_368 = vector.shape_cast %add3A_363 : vector<16xf32> to vector<1x16xf32>
        tpu.vector_store %arg14[%swap3A_364, %swap3A_365], %swap3A_368 {add = true, strides = array<i32>} : memref<128x64xf32, #tpu.memory_space<vmem>>, vector<1x16xf32>,
      }
      %scan3A_128 = arith.constant 32 : i32
    }
    %scan3A_66 = arith.constant 25 : i32
    %mul3A_67 = arith.constant 128 : i32
    %mul3A_68 = arith.muli %add3A, %mul3A_67 : i32
    "tpu.region"() ({
      %run_scoped3A = tpu.sem_alloc : memref<!tpu.dma_semaphore, #tpu.memory_space<semaphore_mem>>
      %dma_start3A_71 = arith.constant 0 : i32
      %dma_start3A_72 = tpu.memref_slice %arg6[%mul3A_68, %dma_start3A_71] : memref<4096x64xf32, #tpu.memory_space<hbm>> -> memref<128x64xf32, #tpu.memory_space<hbm>>
      %dma_start3A_73 = arith.constant 0 : i32
      %dma_start3A_74 = tpu.memref_slice %arg6[%mul3A_68, %dma_start3A_73] : memref<4096x64xf32, #tpu.memory_space<hbm>> -> memref<128x64xf32, #tpu.memory_space<hbm>>
      tpu.enqueue_dma source(%arg14 : memref<128x64xf32, #tpu.memory_space<vmem>>) target(%dma_start3A_74 : memref<128x64xf32, #tpu.memory_space<hbm>>) target_semaphore(%run_scoped3A : memref<!tpu.dma_semaphore, #tpu.memory_space<semaphore_mem>>)
      %dma_wait3A = arith.constant 0 : i32
      %dma_wait3A_75 = tpu.memref_slice %arg6[%mul3A_68, %dma_wait3A] : memref<4096x64xf32, #tpu.memory_space<hbm>> -> memref<128x64xf32, #tpu.memory_space<hbm>>
      %dma_wait3A_76 = arith.constant 0 : i32
      %dma_wait3A_77 = tpu.memref_slice %arg6[%mul3A_68, %dma_wait3A_76] : memref<4096x64xf32, #tpu.memory_space<hbm>> -> memref<128x64xf32, #tpu.memory_space<hbm>>
      tpu.wait_dma2 semaphore(%run_scoped3A : memref<!tpu.dma_semaphore, #tpu.memory_space<semaphore_mem>>) src(%arg14 : memref<128x64xf32, #tpu.memory_space<vmem>>) dst(%dma_wait3A_77 : memref<128x64xf32, #tpu.memory_space<hbm>>)
      tpu.yield
    }) : () -> ()
    %mul3A_69 = arith.constant 128 : i32
    %mul3A_70 = arith.muli %add3A, %mul3A_69 : i32
    "tpu.region"() ({
      %run_scoped3A = tpu.sem_alloc : memref<!tpu.dma_semaphore, #tpu.memory_space<semaphore_mem>>
      %dma_start3A_71 = tpu.memref_slice %arg7[%mul3A_70] : memref<4096xf32, #tpu.memory_space<hbm>> -> memref<128xf32, #tpu.memory_space<hbm>>
      %dma_start3A_72 = tpu.memref_slice %arg7[%mul3A_70] : memref<4096xf32, #tpu.memory_space<hbm>> -> memref<128xf32, #tpu.memory_space<hbm>>
      tpu.enqueue_dma source(%arg15 : memref<128xf32, #tpu.memory_space<vmem>>) target(%dma_start3A_72 : memref<128xf32, #tpu.memory_space<hbm>>) target_semaphore(%run_scoped3A : memref<!tpu.dma_semaphore, #tpu.memory_space<semaphore_mem>>)
      %dma_wait3A = tpu.memref_slice %arg7[%mul3A_70] : memref<4096xf32, #tpu.memory_space<hbm>> -> memref<128xf32, #tpu.memory_space<hbm>>
      %dma_wait3A_73 = tpu.memref_slice %arg7[%mul3A_70] : memref<4096xf32, #tpu.memory_space<hbm>> -> memref<128xf32, #tpu.memory_space<hbm>>
      tpu.wait_dma2 semaphore(%run_scoped3A : memref<!tpu.dma_semaphore, #tpu.memory_space<semaphore_mem>>) src(%arg15 : memref<128xf32, #tpu.memory_space<vmem>>) dst(%dma_wait3A_73 : memref<128xf32, #tpu.memory_space<hbm>>)
      tpu.yield
    }) : () -> ()
    return
  }
}

module attributes {stable_mosaic.version = 14 : i64} {
  func.func @_tr_body(%arg0: i32, %arg1: memref<1024x50xi32, #tpu.memory_space<vmem>>, %arg2: memref<1024x50xi32, #tpu.memory_space<vmem>>, %arg3: memref<8x56x128xi32, #tpu.memory_space<vmem>>, %arg4: memref<8x56x128xi32, #tpu.memory_space<vmem>>) attributes {dimension_semantics = [#tpu.dimension_semantics<arbitrary>], iteration_bounds = array<i64: 4>, scalar_prefetch = 0 : i64, scratch_operands = 0 : i64, tpu.core_type = #tpu.core_type<tc>, window_params = [{transform_indices = @transform_0, window_bounds = array<i64: 1024, 50>}, {transform_indices = @transform_1, window_bounds = array<i64: 1024, 50>}, {transform_indices = @transform_2, window_bounds = array<i64: 8, 56, 128>}, {transform_indices = @transform_3, window_bounds = array<i64: 8, 56, 128>}]} {
    %broadcast_in_dim3A = arith.constant 0 : i32
    %broadcast_in_dim3A_0 = vector.broadcast %broadcast_in_dim3A : i32 to vector<6x128xi32>
    %get3A = arith.constant 0 : index
    %get3A_1 = arith.constant 0 : index
    %get3A_2 = vector.load %arg1[%get3A, %get3A_1] : memref<1024x50xi32, #tpu.memory_space<vmem>>, vector<1024x50xi32>
    %get3A_3 = arith.constant 0 : index
    %get3A_4 = arith.constant 0 : index
    %get3A_5 = vector.load %arg2[%get3A_3, %get3A_4] : memref<1024x50xi32, #tpu.memory_space<vmem>>, vector<1024x50xi32>
    %slice3A = vector.extract_strided_slice %get3A_2 {offsets = [0, 0], sizes = [128, 50], strides = [1, 1]} : vector<1024x50xi32> to vector<128x50xi32>
    %slice3A_6 = vector.extract_strided_slice %get3A_5 {offsets = [0, 0], sizes = [128, 50], strides = [1, 1]} : vector<1024x50xi32> to vector<128x50xi32>
    %transpose3A = tpu.transpose %slice3A, [1, 0] : vector<128x50xi32> -> vector<50x128xi32>
    %concatenate3A = tpu.concatenate %transpose3A, %broadcast_in_dim3A_0 in 0 : vector<50x128xi32>, vector<6x128xi32> -> vector<56x128xi32>
    %swap3A = arith.constant 0 : index
    %swap3A_7 = arith.constant 0 : index
    %swap3A_8 = arith.constant 0 : index
    %swap3A_9 = vector.load %arg3[%swap3A, %swap3A_7, %swap3A_8] : memref<8x56x128xi32, #tpu.memory_space<vmem>>, vector<1x56x128xi32>
    %swap3A_10 = vector.shape_cast %swap3A_9 : vector<1x56x128xi32> to vector<56x128xi32>
    %swap3A_11 = vector.shape_cast %concatenate3A : vector<56x128xi32> to vector<1x56x128xi32>
    tpu.vector_store %arg3[%swap3A, %swap3A_7, %swap3A_8], %swap3A_11 {strides = array<i32>} : memref<8x56x128xi32, #tpu.memory_space<vmem>>, vector<1x56x128xi32>,
    %transpose3A_12 = tpu.transpose %slice3A_6, [1, 0] : vector<128x50xi32> -> vector<50x128xi32>
    %concatenate3A_13 = tpu.concatenate %transpose3A_12, %broadcast_in_dim3A_0 in 0 : vector<50x128xi32>, vector<6x128xi32> -> vector<56x128xi32>
    %swap3A_14 = arith.constant 0 : index
    %swap3A_15 = arith.constant 0 : index
    %swap3A_16 = arith.constant 0 : index
    %swap3A_17 = vector.load %arg4[%swap3A_14, %swap3A_15, %swap3A_16] : memref<8x56x128xi32, #tpu.memory_space<vmem>>, vector<1x56x128xi32>
    %swap3A_18 = vector.shape_cast %swap3A_17 : vector<1x56x128xi32> to vector<56x128xi32>
    %swap3A_19 = vector.shape_cast %concatenate3A_13 : vector<56x128xi32> to vector<1x56x128xi32>
    tpu.vector_store %arg4[%swap3A_14, %swap3A_15, %swap3A_16], %swap3A_19 {strides = array<i32>} : memref<8x56x128xi32, #tpu.memory_space<vmem>>, vector<1x56x128xi32>,
    %slice3A_20 = vector.extract_strided_slice %get3A_2 {offsets = [128, 0], sizes = [128, 50], strides = [1, 1]} : vector<1024x50xi32> to vector<128x50xi32>
    %slice3A_21 = vector.extract_strided_slice %get3A_5 {offsets = [128, 0], sizes = [128, 50], strides = [1, 1]} : vector<1024x50xi32> to vector<128x50xi32>
    %transpose3A_22 = tpu.transpose %slice3A_20, [1, 0] : vector<128x50xi32> -> vector<50x128xi32>
    %concatenate3A_23 = tpu.concatenate %transpose3A_22, %broadcast_in_dim3A_0 in 0 : vector<50x128xi32>, vector<6x128xi32> -> vector<56x128xi32>
    %swap3A_24 = arith.constant 1 : index
    %swap3A_25 = arith.constant 0 : index
    %swap3A_26 = arith.constant 0 : index
    %swap3A_27 = vector.load %arg3[%swap3A_24, %swap3A_25, %swap3A_26] : memref<8x56x128xi32, #tpu.memory_space<vmem>>, vector<1x56x128xi32>
    %swap3A_28 = vector.shape_cast %swap3A_27 : vector<1x56x128xi32> to vector<56x128xi32>
    %swap3A_29 = vector.shape_cast %concatenate3A_23 : vector<56x128xi32> to vector<1x56x128xi32>
    tpu.vector_store %arg3[%swap3A_24, %swap3A_25, %swap3A_26], %swap3A_29 {strides = array<i32>} : memref<8x56x128xi32, #tpu.memory_space<vmem>>, vector<1x56x128xi32>,
    %transpose3A_30 = tpu.transpose %slice3A_21, [1, 0] : vector<128x50xi32> -> vector<50x128xi32>
    %concatenate3A_31 = tpu.concatenate %transpose3A_30, %broadcast_in_dim3A_0 in 0 : vector<50x128xi32>, vector<6x128xi32> -> vector<56x128xi32>
    %swap3A_32 = arith.constant 1 : index
    %swap3A_33 = arith.constant 0 : index
    %swap3A_34 = arith.constant 0 : index
    %swap3A_35 = vector.load %arg4[%swap3A_32, %swap3A_33, %swap3A_34] : memref<8x56x128xi32, #tpu.memory_space<vmem>>, vector<1x56x128xi32>
    %swap3A_36 = vector.shape_cast %swap3A_35 : vector<1x56x128xi32> to vector<56x128xi32>
    %swap3A_37 = vector.shape_cast %concatenate3A_31 : vector<56x128xi32> to vector<1x56x128xi32>
    tpu.vector_store %arg4[%swap3A_32, %swap3A_33, %swap3A_34], %swap3A_37 {strides = array<i32>} : memref<8x56x128xi32, #tpu.memory_space<vmem>>, vector<1x56x128xi32>,
    %slice3A_38 = vector.extract_strided_slice %get3A_2 {offsets = [256, 0], sizes = [128, 50], strides = [1, 1]} : vector<1024x50xi32> to vector<128x50xi32>
    %slice3A_39 = vector.extract_strided_slice %get3A_5 {offsets = [256, 0], sizes = [128, 50], strides = [1, 1]} : vector<1024x50xi32> to vector<128x50xi32>
    %transpose3A_40 = tpu.transpose %slice3A_38, [1, 0] : vector<128x50xi32> -> vector<50x128xi32>
    %concatenate3A_41 = tpu.concatenate %transpose3A_40, %broadcast_in_dim3A_0 in 0 : vector<50x128xi32>, vector<6x128xi32> -> vector<56x128xi32>
    %swap3A_42 = arith.constant 2 : index
    %swap3A_43 = arith.constant 0 : index
    %swap3A_44 = arith.constant 0 : index
    %swap3A_45 = vector.load %arg3[%swap3A_42, %swap3A_43, %swap3A_44] : memref<8x56x128xi32, #tpu.memory_space<vmem>>, vector<1x56x128xi32>
    %swap3A_46 = vector.shape_cast %swap3A_45 : vector<1x56x128xi32> to vector<56x128xi32>
    %swap3A_47 = vector.shape_cast %concatenate3A_41 : vector<56x128xi32> to vector<1x56x128xi32>
    tpu.vector_store %arg3[%swap3A_42, %swap3A_43, %swap3A_44], %swap3A_47 {strides = array<i32>} : memref<8x56x128xi32, #tpu.memory_space<vmem>>, vector<1x56x128xi32>,
    %transpose3A_48 = tpu.transpose %slice3A_39, [1, 0] : vector<128x50xi32> -> vector<50x128xi32>
    %concatenate3A_49 = tpu.concatenate %transpose3A_48, %broadcast_in_dim3A_0 in 0 : vector<50x128xi32>, vector<6x128xi32> -> vector<56x128xi32>
    %swap3A_50 = arith.constant 2 : index
    %swap3A_51 = arith.constant 0 : index
    %swap3A_52 = arith.constant 0 : index
    %swap3A_53 = vector.load %arg4[%swap3A_50, %swap3A_51, %swap3A_52] : memref<8x56x128xi32, #tpu.memory_space<vmem>>, vector<1x56x128xi32>
    %swap3A_54 = vector.shape_cast %swap3A_53 : vector<1x56x128xi32> to vector<56x128xi32>
    %swap3A_55 = vector.shape_cast %concatenate3A_49 : vector<56x128xi32> to vector<1x56x128xi32>
    tpu.vector_store %arg4[%swap3A_50, %swap3A_51, %swap3A_52], %swap3A_55 {strides = array<i32>} : memref<8x56x128xi32, #tpu.memory_space<vmem>>, vector<1x56x128xi32>,
    %slice3A_56 = vector.extract_strided_slice %get3A_2 {offsets = [384, 0], sizes = [128, 50], strides = [1, 1]} : vector<1024x50xi32> to vector<128x50xi32>
    %slice3A_57 = vector.extract_strided_slice %get3A_5 {offsets = [384, 0], sizes = [128, 50], strides = [1, 1]} : vector<1024x50xi32> to vector<128x50xi32>
    %transpose3A_58 = tpu.transpose %slice3A_56, [1, 0] : vector<128x50xi32> -> vector<50x128xi32>
    %concatenate3A_59 = tpu.concatenate %transpose3A_58, %broadcast_in_dim3A_0 in 0 : vector<50x128xi32>, vector<6x128xi32> -> vector<56x128xi32>
    %swap3A_60 = arith.constant 3 : index
    %swap3A_61 = arith.constant 0 : index
    %swap3A_62 = arith.constant 0 : index
    %swap3A_63 = vector.load %arg3[%swap3A_60, %swap3A_61, %swap3A_62] : memref<8x56x128xi32, #tpu.memory_space<vmem>>, vector<1x56x128xi32>
    %swap3A_64 = vector.shape_cast %swap3A_63 : vector<1x56x128xi32> to vector<56x128xi32>
    %swap3A_65 = vector.shape_cast %concatenate3A_59 : vector<56x128xi32> to vector<1x56x128xi32>
    tpu.vector_store %arg3[%swap3A_60, %swap3A_61, %swap3A_62], %swap3A_65 {strides = array<i32>} : memref<8x56x128xi32, #tpu.memory_space<vmem>>, vector<1x56x128xi32>,
    %transpose3A_66 = tpu.transpose %slice3A_57, [1, 0] : vector<128x50xi32> -> vector<50x128xi32>
    %concatenate3A_67 = tpu.concatenate %transpose3A_66, %broadcast_in_dim3A_0 in 0 : vector<50x128xi32>, vector<6x128xi32> -> vector<56x128xi32>
    %swap3A_68 = arith.constant 3 : index
    %swap3A_69 = arith.constant 0 : index
    %swap3A_70 = arith.constant 0 : index
    %swap3A_71 = vector.load %arg4[%swap3A_68, %swap3A_69, %swap3A_70] : memref<8x56x128xi32, #tpu.memory_space<vmem>>, vector<1x56x128xi32>
    %swap3A_72 = vector.shape_cast %swap3A_71 : vector<1x56x128xi32> to vector<56x128xi32>
    %swap3A_73 = vector.shape_cast %concatenate3A_67 : vector<56x128xi32> to vector<1x56x128xi32>
    tpu.vector_store %arg4[%swap3A_68, %swap3A_69, %swap3A_70], %swap3A_73 {strides = array<i32>} : memref<8x56x128xi32, #tpu.memory_space<vmem>>, vector<1x56x128xi32>,
    %slice3A_74 = vector.extract_strided_slice %get3A_2 {offsets = [512, 0], sizes = [128, 50], strides = [1, 1]} : vector<1024x50xi32> to vector<128x50xi32>
    %slice3A_75 = vector.extract_strided_slice %get3A_5 {offsets = [512, 0], sizes = [128, 50], strides = [1, 1]} : vector<1024x50xi32> to vector<128x50xi32>
    %transpose3A_76 = tpu.transpose %slice3A_74, [1, 0] : vector<128x50xi32> -> vector<50x128xi32>
    %concatenate3A_77 = tpu.concatenate %transpose3A_76, %broadcast_in_dim3A_0 in 0 : vector<50x128xi32>, vector<6x128xi32> -> vector<56x128xi32>
    %swap3A_78 = arith.constant 4 : index
    %swap3A_79 = arith.constant 0 : index
    %swap3A_80 = arith.constant 0 : index
    %swap3A_81 = vector.load %arg3[%swap3A_78, %swap3A_79, %swap3A_80] : memref<8x56x128xi32, #tpu.memory_space<vmem>>, vector<1x56x128xi32>
    %swap3A_82 = vector.shape_cast %swap3A_81 : vector<1x56x128xi32> to vector<56x128xi32>
    %swap3A_83 = vector.shape_cast %concatenate3A_77 : vector<56x128xi32> to vector<1x56x128xi32>
    tpu.vector_store %arg3[%swap3A_78, %swap3A_79, %swap3A_80], %swap3A_83 {strides = array<i32>} : memref<8x56x128xi32, #tpu.memory_space<vmem>>, vector<1x56x128xi32>,
    %transpose3A_84 = tpu.transpose %slice3A_75, [1, 0] : vector<128x50xi32> -> vector<50x128xi32>
    %concatenate3A_85 = tpu.concatenate %transpose3A_84, %broadcast_in_dim3A_0 in 0 : vector<50x128xi32>, vector<6x128xi32> -> vector<56x128xi32>
    %swap3A_86 = arith.constant 4 : index
    %swap3A_87 = arith.constant 0 : index
    %swap3A_88 = arith.constant 0 : index
    %swap3A_89 = vector.load %arg4[%swap3A_86, %swap3A_87, %swap3A_88] : memref<8x56x128xi32, #tpu.memory_space<vmem>>, vector<1x56x128xi32>
    %swap3A_90 = vector.shape_cast %swap3A_89 : vector<1x56x128xi32> to vector<56x128xi32>
    %swap3A_91 = vector.shape_cast %concatenate3A_85 : vector<56x128xi32> to vector<1x56x128xi32>
    tpu.vector_store %arg4[%swap3A_86, %swap3A_87, %swap3A_88], %swap3A_91 {strides = array<i32>} : memref<8x56x128xi32, #tpu.memory_space<vmem>>, vector<1x56x128xi32>,
    %slice3A_92 = vector.extract_strided_slice %get3A_2 {offsets = [640, 0], sizes = [128, 50], strides = [1, 1]} : vector<1024x50xi32> to vector<128x50xi32>
    %slice3A_93 = vector.extract_strided_slice %get3A_5 {offsets = [640, 0], sizes = [128, 50], strides = [1, 1]} : vector<1024x50xi32> to vector<128x50xi32>
    %transpose3A_94 = tpu.transpose %slice3A_92, [1, 0] : vector<128x50xi32> -> vector<50x128xi32>
    %concatenate3A_95 = tpu.concatenate %transpose3A_94, %broadcast_in_dim3A_0 in 0 : vector<50x128xi32>, vector<6x128xi32> -> vector<56x128xi32>
    %swap3A_96 = arith.constant 5 : index
    %swap3A_97 = arith.constant 0 : index
    %swap3A_98 = arith.constant 0 : index
    %swap3A_99 = vector.load %arg3[%swap3A_96, %swap3A_97, %swap3A_98] : memref<8x56x128xi32, #tpu.memory_space<vmem>>, vector<1x56x128xi32>
    %swap3A_100 = vector.shape_cast %swap3A_99 : vector<1x56x128xi32> to vector<56x128xi32>
    %swap3A_101 = vector.shape_cast %concatenate3A_95 : vector<56x128xi32> to vector<1x56x128xi32>
    tpu.vector_store %arg3[%swap3A_96, %swap3A_97, %swap3A_98], %swap3A_101 {strides = array<i32>} : memref<8x56x128xi32, #tpu.memory_space<vmem>>, vector<1x56x128xi32>,
    %transpose3A_102 = tpu.transpose %slice3A_93, [1, 0] : vector<128x50xi32> -> vector<50x128xi32>
    %concatenate3A_103 = tpu.concatenate %transpose3A_102, %broadcast_in_dim3A_0 in 0 : vector<50x128xi32>, vector<6x128xi32> -> vector<56x128xi32>
    %swap3A_104 = arith.constant 5 : index
    %swap3A_105 = arith.constant 0 : index
    %swap3A_106 = arith.constant 0 : index
    %swap3A_107 = vector.load %arg4[%swap3A_104, %swap3A_105, %swap3A_106] : memref<8x56x128xi32, #tpu.memory_space<vmem>>, vector<1x56x128xi32>
    %swap3A_108 = vector.shape_cast %swap3A_107 : vector<1x56x128xi32> to vector<56x128xi32>
    %swap3A_109 = vector.shape_cast %concatenate3A_103 : vector<56x128xi32> to vector<1x56x128xi32>
    tpu.vector_store %arg4[%swap3A_104, %swap3A_105, %swap3A_106], %swap3A_109 {strides = array<i32>} : memref<8x56x128xi32, #tpu.memory_space<vmem>>, vector<1x56x128xi32>,
    %slice3A_110 = vector.extract_strided_slice %get3A_2 {offsets = [768, 0], sizes = [128, 50], strides = [1, 1]} : vector<1024x50xi32> to vector<128x50xi32>
    %slice3A_111 = vector.extract_strided_slice %get3A_5 {offsets = [768, 0], sizes = [128, 50], strides = [1, 1]} : vector<1024x50xi32> to vector<128x50xi32>
    %transpose3A_112 = tpu.transpose %slice3A_110, [1, 0] : vector<128x50xi32> -> vector<50x128xi32>
    %concatenate3A_113 = tpu.concatenate %transpose3A_112, %broadcast_in_dim3A_0 in 0 : vector<50x128xi32>, vector<6x128xi32> -> vector<56x128xi32>
    %swap3A_114 = arith.constant 6 : index
    %swap3A_115 = arith.constant 0 : index
    %swap3A_116 = arith.constant 0 : index
    %swap3A_117 = vector.load %arg3[%swap3A_114, %swap3A_115, %swap3A_116] : memref<8x56x128xi32, #tpu.memory_space<vmem>>, vector<1x56x128xi32>
    %swap3A_118 = vector.shape_cast %swap3A_117 : vector<1x56x128xi32> to vector<56x128xi32>
    %swap3A_119 = vector.shape_cast %concatenate3A_113 : vector<56x128xi32> to vector<1x56x128xi32>
    tpu.vector_store %arg3[%swap3A_114, %swap3A_115, %swap3A_116], %swap3A_119 {strides = array<i32>} : memref<8x56x128xi32, #tpu.memory_space<vmem>>, vector<1x56x128xi32>,
    %transpose3A_120 = tpu.transpose %slice3A_111, [1, 0] : vector<128x50xi32> -> vector<50x128xi32>
    %concatenate3A_121 = tpu.concatenate %transpose3A_120, %broadcast_in_dim3A_0 in 0 : vector<50x128xi32>, vector<6x128xi32> -> vector<56x128xi32>
    %swap3A_122 = arith.constant 6 : index
    %swap3A_123 = arith.constant 0 : index
    %swap3A_124 = arith.constant 0 : index
    %swap3A_125 = vector.load %arg4[%swap3A_122, %swap3A_123, %swap3A_124] : memref<8x56x128xi32, #tpu.memory_space<vmem>>, vector<1x56x128xi32>
    %swap3A_126 = vector.shape_cast %swap3A_125 : vector<1x56x128xi32> to vector<56x128xi32>
    %swap3A_127 = vector.shape_cast %concatenate3A_121 : vector<56x128xi32> to vector<1x56x128xi32>
    tpu.vector_store %arg4[%swap3A_122, %swap3A_123, %swap3A_124], %swap3A_127 {strides = array<i32>} : memref<8x56x128xi32, #tpu.memory_space<vmem>>, vector<1x56x128xi32>,
    %slice3A_128 = vector.extract_strided_slice %get3A_2 {offsets = [896, 0], sizes = [128, 50], strides = [1, 1]} : vector<1024x50xi32> to vector<128x50xi32>
    %slice3A_129 = vector.extract_strided_slice %get3A_5 {offsets = [896, 0], sizes = [128, 50], strides = [1, 1]} : vector<1024x50xi32> to vector<128x50xi32>
    %transpose3A_130 = tpu.transpose %slice3A_128, [1, 0] : vector<128x50xi32> -> vector<50x128xi32>
    %concatenate3A_131 = tpu.concatenate %transpose3A_130, %broadcast_in_dim3A_0 in 0 : vector<50x128xi32>, vector<6x128xi32> -> vector<56x128xi32>
    %swap3A_132 = arith.constant 7 : index
    %swap3A_133 = arith.constant 0 : index
    %swap3A_134 = arith.constant 0 : index
    %swap3A_135 = vector.load %arg3[%swap3A_132, %swap3A_133, %swap3A_134] : memref<8x56x128xi32, #tpu.memory_space<vmem>>, vector<1x56x128xi32>
    %swap3A_136 = vector.shape_cast %swap3A_135 : vector<1x56x128xi32> to vector<56x128xi32>
    %swap3A_137 = vector.shape_cast %concatenate3A_131 : vector<56x128xi32> to vector<1x56x128xi32>
    tpu.vector_store %arg3[%swap3A_132, %swap3A_133, %swap3A_134], %swap3A_137 {strides = array<i32>} : memref<8x56x128xi32, #tpu.memory_space<vmem>>, vector<1x56x128xi32>,
    %transpose3A_138 = tpu.transpose %slice3A_129, [1, 0] : vector<128x50xi32> -> vector<50x128xi32>
    %concatenate3A_139 = tpu.concatenate %transpose3A_138, %broadcast_in_dim3A_0 in 0 : vector<50x128xi32>, vector<6x128xi32> -> vector<56x128xi32>
    %swap3A_140 = arith.constant 7 : index
    %swap3A_141 = arith.constant 0 : index
    %swap3A_142 = arith.constant 0 : index
    %swap3A_143 = vector.load %arg4[%swap3A_140, %swap3A_141, %swap3A_142] : memref<8x56x128xi32, #tpu.memory_space<vmem>>, vector<1x56x128xi32>
    %swap3A_144 = vector.shape_cast %swap3A_143 : vector<1x56x128xi32> to vector<56x128xi32>
    %swap3A_145 = vector.shape_cast %concatenate3A_139 : vector<56x128xi32> to vector<1x56x128xi32>
    tpu.vector_store %arg4[%swap3A_140, %swap3A_141, %swap3A_142], %swap3A_145 {strides = array<i32>} : memref<8x56x128xi32, #tpu.memory_space<vmem>>, vector<1x56x128xi32>,
    return
  }
  func.func @transform_0(%arg0: i32) -> (i32, i32) {
    %c0_i32 = arith.constant 0 : i32
    %c0_i32_0 = arith.constant 0 : i32
    return %arg0, %c0_i32 : i32, i32
  }
  func.func @transform_1(%arg0: i32) -> (i32, i32) {
    %c0_i32 = arith.constant 0 : i32
    %c0_i32_0 = arith.constant 0 : i32
    return %arg0, %c0_i32 : i32, i32
  }
  func.func @transform_2(%arg0: i32) -> (i32, i32, i32) {
    %c0_i32 = arith.constant 0 : i32
    %c0_i32_0 = arith.constant 0 : i32
    %c0_i32_1 = arith.constant 0 : i32
    return %arg0, %c0_i32, %c0_i32_0 : i32, i32, i32
  }
  func.func @transform_3(%arg0: i32) -> (i32, i32, i32) {
    %c0_i32 = arith.constant 0 : i32
    %c0_i32_0 = arith.constant 0 : i32
    %c0_i32_1 = arith.constant 0 : i32
    return %arg0, %c0_i32, %c0_i32_0 : i32, i32, i32
  }
}

module attributes {stable_mosaic.version = 14 : i64} {
  func.func @_tc_head_body(%arg0: i32, %arg1: memref<1024x64xf32, #tpu.memory_space<vmem>>, %arg2: memref<1024x1xf32, #tpu.memory_space<vmem>>, %arg3: memref<1024x3xf32, #tpu.memory_space<vmem>>, %arg4: memref<1x3xf32, #tpu.memory_space<vmem>>, %arg5: memref<1x3xf32, #tpu.memory_space<vmem>>, %arg6: memref<1000x67xf32, #tpu.memory_space<vmem>>, %arg7: memref<1x1000xf32, #tpu.memory_space<vmem>>, %arg8: memref<1024x1000xf32, #tpu.memory_space<vmem>>) attributes {dimension_semantics = [#tpu.dimension_semantics<arbitrary>], iteration_bounds = array<i64: 4>, scalar_prefetch = 0 : i64, scratch_operands = 0 : i64, tpu.core_type = #tpu.core_type<tc>, window_params = [{transform_indices = @transform_0, window_bounds = array<i64: 1024, 64>}, {transform_indices = @transform_1, window_bounds = array<i64: 1024, 1>}, {transform_indices = @transform_2, window_bounds = array<i64: 1024, 3>}, {pipeline_mode = #tpu.pipeline_mode<synchronous>, transform_indices = @transform_3, window_bounds = array<i64: 1, 3>}, {pipeline_mode = #tpu.pipeline_mode<synchronous>, transform_indices = @transform_4, window_bounds = array<i64: 1, 3>}, {pipeline_mode = #tpu.pipeline_mode<synchronous>, transform_indices = @transform_5, window_bounds = array<i64: 1000, 67>}, {pipeline_mode = #tpu.pipeline_mode<synchronous>, transform_indices = @transform_6, window_bounds = array<i64: 1, 1000>}, {transform_indices = @transform_7, window_bounds = array<i64: 1024, 1000>}]} {
    %get3A = arith.constant 0 : index
    %get3A_0 = arith.constant 0 : index
    %get3A_1 = vector.load %arg3[%get3A, %get3A_0] : memref<1024x3xf32, #tpu.memory_space<vmem>>, vector<1024x3xf32>
    %slice3A = vector.extract_strided_slice %get3A_1 {offsets = [0, 0], sizes = [1024, 1], strides = [1, 1]} : vector<1024x3xf32> to vector<1024x1xf32>
    %slice3A_2 = vector.extract_strided_slice %get3A_1 {offsets = [0, 1], sizes = [1024, 1], strides = [1, 1]} : vector<1024x3xf32> to vector<1024x1xf32>
    %add3A = arith.addf %slice3A, %slice3A_2 : vector<1024x1xf32>
    %slice3A_3 = vector.extract_strided_slice %get3A_1 {offsets = [0, 2], sizes = [1024, 1], strides = [1, 1]} : vector<1024x3xf32> to vector<1024x1xf32>
    %add3A_4 = arith.addf %add3A, %slice3A_3 : vector<1024x1xf32>
    %mul3A = arith.constant 0.333333343 : f32
    %mul3A_5 = vector.broadcast %mul3A : f32 to vector<1024x1xf32>
    %mul3A_6 = arith.mulf %add3A_4, %mul3A_5 : vector<1024x1xf32>
    %sub3A = vector.broadcast %mul3A_6 : vector<1024x1xf32> to vector<1024x3xf32>
    %sub3A_7 = arith.subf %get3A_1, %sub3A : vector<1024x3xf32>
    %slice3A_8 = vector.extract_strided_slice %sub3A_7 {offsets = [0, 0], sizes = [1024, 1], strides = [1, 1]} : vector<1024x3xf32> to vector<1024x1xf32>
    %slice3A_9 = vector.extract_strided_slice %sub3A_7 {offsets = [0, 0], sizes = [1024, 1], strides = [1, 1]} : vector<1024x3xf32> to vector<1024x1xf32>
    %mul3A_10 = arith.mulf %slice3A_8, %slice3A_9 : vector<1024x1xf32>
    %slice3A_11 = vector.extract_strided_slice %sub3A_7 {offsets = [0, 1], sizes = [1024, 1], strides = [1, 1]} : vector<1024x3xf32> to vector<1024x1xf32>
    %slice3A_12 = vector.extract_strided_slice %sub3A_7 {offsets = [0, 1], sizes = [1024, 1], strides = [1, 1]} : vector<1024x3xf32> to vector<1024x1xf32>
    %mul3A_13 = arith.mulf %slice3A_11, %slice3A_12 : vector<1024x1xf32>
    %add3A_14 = arith.addf %mul3A_10, %mul3A_13 : vector<1024x1xf32>
    %slice3A_15 = vector.extract_strided_slice %sub3A_7 {offsets = [0, 2], sizes = [1024, 1], strides = [1, 1]} : vector<1024x3xf32> to vector<1024x1xf32>
    %slice3A_16 = vector.extract_strided_slice %sub3A_7 {offsets = [0, 2], sizes = [1024, 1], strides = [1, 1]} : vector<1024x3xf32> to vector<1024x1xf32>
    %mul3A_17 = arith.mulf %slice3A_15, %slice3A_16 : vector<1024x1xf32>
    %add3A_18 = arith.addf %add3A_14, %mul3A_17 : vector<1024x1xf32>
    %mul3A_19 = arith.constant 0.333333343 : f32
    %mul3A_20 = vector.broadcast %mul3A_19 : f32 to vector<1024x1xf32>
    %mul3A_21 = arith.mulf %add3A_18, %mul3A_20 : vector<1024x1xf32>
    %add3A_22 = arith.constant 9.99999974E-6 : f32
    %add3A_23 = vector.broadcast %add3A_22 : f32 to vector<1024x1xf32>
    %add3A_24 = arith.addf %mul3A_21, %add3A_23 : vector<1024x1xf32>
    %rsqrt3A = math.rsqrt %add3A_24 : vector<1024x1xf32>
    %mul3A_25 = vector.broadcast %rsqrt3A : vector<1024x1xf32> to vector<1024x3xf32>
    %mul3A_26 = arith.mulf %sub3A_7, %mul3A_25 : vector<1024x3xf32>
    %get3A_27 = arith.constant 0 : index
    %get3A_28 = arith.constant 0 : index
    %get3A_29 = vector.load %arg4[%get3A_27, %get3A_28] : memref<1x3xf32, #tpu.memory_space<vmem>>, vector<1x3xf32>
    %mul3A_30 = vector.broadcast %get3A_29 : vector<1x3xf32> to vector<1024x3xf32>
    %mul3A_31 = arith.mulf %mul3A_26, %mul3A_30 : vector<1024x3xf32>
    %get3A_32 = arith.constant 0 : index
    %get3A_33 = arith.constant 0 : index
    %get3A_34 = vector.load %arg5[%get3A_32, %get3A_33] : memref<1x3xf32, #tpu.memory_space<vmem>>, vector<1x3xf32>
    %add3A_35 = vector.broadcast %get3A_34 : vector<1x3xf32> to vector<1024x3xf32>
    %add3A_36 = arith.addf %mul3A_31, %add3A_35 : vector<1024x3xf32>
    %get3A_37 = arith.constant 0 : index
    %get3A_38 = arith.constant 0 : index
    %get3A_39 = vector.load %arg1[%get3A_37, %get3A_38] : memref<1024x64xf32, #tpu.memory_space<vmem>>, vector<1024x64xf32>
    %get3A_40 = arith.constant 0 : index
    %get3A_41 = arith.constant 0 : index
    %get3A_42 = vector.load %arg2[%get3A_40, %get3A_41] : memref<1024x1xf32, #tpu.memory_space<vmem>>, vector<1024x1xf32>
    %max3A = arith.constant 1.000000e+00 : f32
    %max3A_43 = vector.broadcast %max3A : f32 to vector<1024x1xf32>
    %max3A_44 = arith.maximumf %get3A_42, %max3A_43 : vector<1024x1xf32>
    %div3A = vector.broadcast %max3A_44 : vector<1024x1xf32> to vector<1024x64xf32>
    %div3A_45 = arith.divf %get3A_39, %div3A : vector<1024x64xf32>
    %concatenate3A = tpu.concatenate %div3A_45, %add3A_36 in 1 : vector<1024x64xf32>, vector<1024x3xf32> -> vector<1024x67xf32>
    %get3A_46 = arith.constant 0 : index
    %get3A_47 = arith.constant 0 : index
    %get3A_48 = vector.load %arg6[%get3A_46, %get3A_47] : memref<1000x67xf32, #tpu.memory_space<vmem>>, vector<1000x67xf32>
    %dot_general3A = arith.constant dense<0.000000e+00> : vector<1024x1000xf32>
    %dot_general3A_49 = tpu.matmul %concatenate3A, %get3A_48, %dot_general3A {dimension_numbers = #tpu.dot_dimension_numbers<[1], [1], [0], [0], [0, 0, 1, 0], [], []>, transpose_lhs_hint = false} : vector<1024x67xf32>, vector<1000x67xf32>, vector<1024x1000xf32> -> vector<1024x1000xf32>
    %get3A_50 = arith.constant 0 : index
    %get3A_51 = arith.constant 0 : index
    %get3A_52 = vector.load %arg7[%get3A_50, %get3A_51] : memref<1x1000xf32, #tpu.memory_space<vmem>>, vector<1x1000xf32>
    %add3A_53 = vector.broadcast %get3A_52 : vector<1x1000xf32> to vector<1024x1000xf32>
    %add3A_54 = arith.addf %dot_general3A_49, %add3A_53 : vector<1024x1000xf32>
    %swap3A = arith.constant 0 : index
    %swap3A_55 = arith.constant 0 : index
    %swap3A_56 = vector.load %arg8[%swap3A, %swap3A_55] : memref<1024x1000xf32, #tpu.memory_space<vmem>>, vector<1024x1000xf32>
    tpu.vector_store %arg8[%swap3A, %swap3A_55], %add3A_54 {strides = array<i32>} : memref<1024x1000xf32, #tpu.memory_space<vmem>>, vector<1024x1000xf32>,
    return
  }
  func.func @transform_0(%arg0: i32) -> (i32, i32) {
    %c0_i32 = arith.constant 0 : i32
    %c0_i32_0 = arith.constant 0 : i32
    return %arg0, %c0_i32 : i32, i32
  }
  func.func @transform_1(%arg0: i32) -> (i32, i32) {
    %c0_i32 = arith.constant 0 : i32
    %c0_i32_0 = arith.constant 0 : i32
    return %arg0, %c0_i32 : i32, i32
  }
  func.func @transform_2(%arg0: i32) -> (i32, i32) {
    %c0_i32 = arith.constant 0 : i32
    %c0_i32_0 = arith.constant 0 : i32
    return %arg0, %c0_i32 : i32, i32
  }
  func.func @transform_3(%arg0: i32) -> (i32, i32) {
    %c0_i32 = arith.constant 0 : i32
    %c0_i32_0 = arith.constant 0 : i32
    %c0_i32_1 = arith.constant 0 : i32
    return %c0_i32, %c0_i32_0 : i32, i32
  }
  func.func @transform_4(%arg0: i32) -> (i32, i32) {
    %c0_i32 = arith.constant 0 : i32
    %c0_i32_0 = arith.constant 0 : i32
    %c0_i32_1 = arith.constant 0 : i32
    return %c0_i32, %c0_i32_0 : i32, i32
  }
  func.func @transform_5(%arg0: i32) -> (i32, i32) {
    %c0_i32 = arith.constant 0 : i32
    %c0_i32_0 = arith.constant 0 : i32
    %c0_i32_1 = arith.constant 0 : i32
    return %c0_i32, %c0_i32_0 : i32, i32
  }
  func.func @transform_6(%arg0: i32) -> (i32, i32) {
    %c0_i32 = arith.constant 0 : i32
    %c0_i32_0 = arith.constant 0 : i32
    %c0_i32_1 = arith.constant 0 : i32
    return %c0_i32, %c0_i32_0 : i32, i32
  }
  func.func @transform_7(%arg0: i32) -> (i32, i32) {
    %c0_i32 = arith.constant 0 : i32
    %c0_i32_0 = arith.constant 0 : i32
    return %arg0, %c0_i32 : i32, i32
  }
}

</mosaic_0001>

<sc_bundles>
// kernel: kernel.5.cloned.1.call-start
scs
__scs_entry_jumppad:
0x0: {  	(pc) =	sbr.rel $0x88, $3  }
0x1: {  	(tag) =	ssettag $0x0;
	lr =	simm.s32 $0x1  }
0x2: {  	[smem:$0x3F98] =	sst lr;
	_ =	strace $0xD0000000  }
0x3: {  	_ = 	snop  }
0x4: {  	_ = 	snop  }
0x5: {  	_ = 	snop  }
0x6: {  	_ = 	snop  }
0x7: {  	_ = 	snop  }
__scs_overlays_trampoline_lowered:
0x8: {  	[smem:$0x3FA7] =	sst s0  }
0x9: {  	[smem:$0x3FA8] =	sst s1  }
0xa: {  	[smem:$0x3FA9] =	sst s2  }
0xb: {  	[smem:$0x3FAA] =	sst s3  }
0xc: {  	[smem:$0x3FAB] =	sst s4  }
0xd: {  	[smem:$0x3FAC] =	sst s5  }
0xe: {  	[smem:$0x3FAD] =	sst s6  }
0xf: {  	[smem:$0x3FAE] =	sst s7  }
0x10: {  	[smem:$0x3FAF] =	sst s8  }
0x11: {  	[smem:$0x3FB0] =	sst s9;
	s0 =	simm.s32 @!p0 $0x0  }
0x12: {  	s1 =	sld [smem:$0x3F96];
	s0 =	simm.s32 @p0 $0x1  }
0x13: {  	[smem:$0x3FB1] =	sst s0;
	s0 =	simm.s32 @!p1 $0x0  }
0x14: {  	s2 =	sld [smem:$0x3F95];
	s0 =	simm.s32 @p1 $0x1  }
0x15: {  	[smem:$0x3FB2] =	sst s0;
	s0 =	simm.s32 @!p2 $0x0  }
0x16: {  	s3 =	sld [smem:$0x3FDB];
	s0 =	simm.s32 @p2 $0x1  }
0x17: {  	s4 =	simm.s32 $0x1BF5;
	[smem:$0x3FB4] =	sst s0  }
0x18: {  	s0 =	sld [smem:$0x3F97];
	_ =	swait.ge [sflag:s4], $0x0  }
0x19: {  	s7 =	sld [smem:$0x3F98]  }
0x1a: {  	s8 =	sadd.s32 $0xFFFFE003, lr  }
0x1b: {  	s9 =	sadd.s32 $0xFFFFFEF7, lr;
	s5 =	simm.s32 $0xFFFFFFFF;
	p2 =	slt.u32 s8, $0xFFFFF086  }
0x1c: {  	p1 =	slt.u32 s9, $0xF7A;
	s5 =	simm.s32 @!p2 $0x0  }
0x1d: {  	s5 =	simm.s32 @p1 $0x1;
	p0 =	seq.s32 s7, s2  }
0x1e: {  	s7 =	smul.u32 @!p0 $0xF7A, s2;
	p2 =	seq.s32 @!p0 s5, $0x0  }
0x1f: {  	s9 =	smul.u32 $0xF7A, s1;
	s8 =	simm.s32 @!p0 $0x1BF5;
	p2 =	por !p2, p0  }
0x20: {  	[sflag:s8] =	ssyncset.s32 @!p0 $0xFFFFF086;
	s6 =	sadd.s32 @!p0 s3, s7;
	s7 =	simm.s32 @!p0 $0x108  }
0x21: {  	s3 =	sadd.s32 s3, s9;
	s6 =	sadd.s32 @!p0 $0x88, s6;
	s7 =	simm.s32 @p2 $0x1082  }
0x22: {  	[simem:s7], [sflag:s8] =	dma.local @!p0 [hbm:s6], $0xF7A  }
0x23: {  	s9 =	sor.u32 $0xD0000000, s2;
	s6 =	simm.s32 $0x108;
	_ =	swait.ge @!p0 [sflag:s8], $0x0  }
0x24: {  	s3 =	sadd.s32 $0x88, s3;
	s6 =	simm.s32 @!p1 $0x1082;
	[sflag:s4] =	ssyncset.s32 $0xFFFFF086  }
0x25: {  	[simem:s6], [sflag:s4] =	dma.local [hbm:s3], $0xF7A  }
0x26: {  	[smem:$0x3F98] =	sst s1;
	(tag) =	ssettag s2;
	_ =	strace s9  }
0x27: {  	s1 =	sld [smem:$0x3FA8]  }
0x28: {  	s2 =	sld [smem:$0x3FA9]  }
0x29: {  	s4 =	sld [smem:$0x3FAB]  }
0x2a: {  	p0 =	seq.s32 s5, $0x0;
	s5 =	sld [smem:$0x3FAC]  }
0x2b: {  	s6 =	sld [smem:$0x3FAD]  }
0x2c: {  	s7 =	sld [smem:$0x3FAE]  }
0x2d: {  	s3 =	simm.s32 $0x108;
	s8 =	sld [smem:$0x3FAF]  }
0x2e: {  	s3 =	simm.s32 @!p0 $0x1082;
	s9 =	sld [smem:$0x3FB0]  }
0x2f: {  	lr =	sadd.s32 s0, s3;
	s0 =	sld [smem:$0x3FA7]  }
0x30: {  	s3 =	sld [smem:$0x3FAA]  }
0x31: {  	[smem:$0x3FB3] =	sst s10  }
0x32: {  	s10 =	sld [smem:$0x3FB1];
	_ =	sdelay $0x3  }
0x33: {  	p0 =	seq.s32 s10, $0x1;
	s10 =	sld [smem:$0x3FB3];
	_ =	sdelay $0x3  }
0x34: {  	[smem:$0x3FB3] =	sst s10  }
0x35: {  	s10 =	sld [smem:$0x3FB2];
	_ =	sdelay $0x3  }
0x36: {  	p1 =	seq.s32 s10, $0x1;
	s10 =	sld [smem:$0x3FB3];
	_ =	sdelay $0x3  }
0x37: {  	[smem:$0x3FB3] =	sst s10  }
0x38: {  	s10 =	sld [smem:$0x3FB4]  }
0x39: {  	_ = 	snop;
	(pc) =	sbr.ind lr, $3  }
0x3a: {  	_ = 	snop  }
0x3b: {  	_ = 	snop  }
0x3c: {  	p2 =	seq.s32 s10, $0x1;
	s10 =	sld [smem:$0x3FB3]  }
0x3d: {  	_ =	shalt  }
0x3e: {  	_ =	shalt  }
0x3f: {  	_ =	shalt  }
0x40: {  	_ =	shalt  }
0x41: {  	_ =	shalt  }
0x42: {  	_ =	shalt  }
0x43: {  	_ =	shalt  }
0x44: {  	_ =	shalt  }
0x45: {  	_ =	shalt  }
0x46: {  	_ =	shalt  }
0x47: {  	_ =	shalt  }
0x48: {  	_ =	shalt  }
0x49: {  	_ =	shalt  }
0x4a: {  	_ =	shalt  }
0x4b: {  	_ =	shalt  }
0x4c: {  	_ =	shalt  }
0x4d: {  	_ =	shalt  }
0x4e: {  	_ =	shalt  }
0x4f: {  	_ =	shalt  }
0x50: {  	_ =	shalt  }
0x51: {  	_ =	shalt  }
0x52: {  	_ =	shalt  }
0x53: {  	_ =	shalt  }
0x54: {  	_ =	shalt  }
0x55: {  	_ =	shalt  }
0x56: {  	_ =	shalt  }
0x57: {  	_ =	shalt  }
0x58: {  	_ =	shalt  }
0x59: {  	_ =	shalt  }
0x5a: {  	_ =	shalt  }
0x5b: {  	_ =	shalt  }
0x5c: {  	_ =	shalt  }
0x5d: {  	_ =	shalt  }
0x5e: {  	_ =	shalt  }
0x5f: {  	_ =	shalt  }
0x60: {  	_ =	shalt  }
0x61: {  	_ =	shalt  }
0x62: {  	_ =	shalt  }
0x63: {  	_ =	shalt  }
0x64: {  	_ =	shalt  }
0x65: {  	_ =	shalt  }
0x66: {  	_ =	shalt  }
0x67: {  	_ =	shalt  }
0x68: {  	_ =	shalt  }
0x69: {  	_ =	shalt  }
0x6a: {  	_ =	shalt  }
0x6b: {  	_ =	shalt  }
0x6c: {  	_ =	shalt  }
0x6d: {  	_ =	shalt  }
0x6e: {  	_ =	shalt  }
0x6f: {  	_ =	shalt  }
0x70: {  	_ =	shalt  }
0x71: {  	_ =	shalt  }
0x72: {  	_ =	shalt  }
0x73: {  	_ =	shalt  }
0x74: {  	_ =	shalt  }
0x75: {  	_ =	shalt  }
0x76: {  	_ =	shalt  }
0x77: {  	_ =	shalt  }
0x78: {  	_ =	shalt  }
0x79: {  	_ =	shalt  }
0x7a: {  	_ =	shalt  }
0x7b: {  	_ =	shalt  }
0x7c: {  	_ =	shalt  }
0x7d: {  	_ =	shalt  }
0x7e: {  	_ =	shalt  }
0x7f: {  	_ =	shalt  }
0x80: {  	_ =	shalt  }
0x81: {  	_ =	shalt  }
0x82: {  	_ =	shalt  }
0x83: {  	_ =	shalt  }
0x84: {  	_ =	shalt  }
0x85: {  	_ =	shalt  }
0x86: {  	_ =	shalt  }
0x87: {  	_ =	shalt  }
.Lfunc_end0:
.L_simem_size_0:
called_computation_lowered:
.L_overlay_start_0:
0x88: {  	s2 =	sld [smem:$0x3FD9]  }
0x89: {  	s3 =	sld [smem:$0x3FFE];
	_ =	sdelay $0x1  }
0x8a: {  	s1 =	srdreg.scid  }
0x8b: {  	s0 =	sand.u32 $0x1, s1  }
0x8c: {  	s17 =	sshll.u32 s0, $0xA;
	s2 =	sadd.s32 s3, s2  }
0x8d: {  	s2 =	sadd.s32 s2, s17  }
0x8e: {  	[smem:$0x3FBF] =	sst s2  }
0x8f: {  	_ = 	snop  }
0x90: {  	s2 =	sld [smem:$0x3FD0];
	(tm) =	ssettm $0x1  }
0x91: {  	s18 =	sld [smem:$0x3FFB];
	_ =	sdelay $0x3  }
0x92: {  	_ =	strace s18  }
0x93: {  	s3 =	sld [smem:$0x3FFC];
	_ =	sdelay $0x3  }
0x94: {  	_ =	strace s3  }
0x95: {  	s3 =	sld [smem:$0x3FFD];
	_ =	sdelay $0x3  }
0x96: {  	_ =	strace s3  }
0x97: {  	_ =	strace $0x8FFFFFFF  }
0x98: {  	s19 =	sld [smem:$0x3FDB];
	_ =	sdelay $0x1  }
0x99: {  	s4 =	simm.s32 $_scs_section_size  }
0x9a: {  	s5 =	simm.s32 $_size__tile_overlayer_lowered;
	s6 =	simm.s32 $_tile_overlayer_lowered  }
0x9b: {  	s22 =	simm.s32 $0x1BFF;
	s21 =	sshll.u32 s6, $0x1;
	s3 =	sadd.s32 s4, s19  }
0x9c: {  	s7 =	simm.s32 $0x0;
	s20 =	sshll.u32 s5, $0x1;
	s5 =	sadd.s32 s21, s3  }
0x9d: {  	[timem:s7], [sflag:s22] =	dma.local [hbm:s5], s20  }
0x9e: {  	_ =	swait.ge [sflag:s22], s20  }
0x9f: {  	s4 =	ssub.s32 $0x0, s20;
	[sflag:s22] =	ssyncset.done $0x0  }
0xa0: {  	[sflag:s22] =	ssyncadd.s32 s4;
	_ =	sdelay $0x1  }
0xa1: {  	s23 =	simm.s32 $0x1B8B  }
0xa2: {  	_ =	swait.ge [sflag:s23], $0x1  }
0xa3: {  	[sflag:s23] =	ssyncset.done $0x0  }
0xa4: {  	s25 =	simm.s32 $0x1B8E;
	s24 =	sld [smem:$0x3FFE];
	[sflag:s23] =	ssyncadd.s32 $0xFFFFFFFF  }
0xa5: {  	s26 =	simm.s32 $execute0_lowered;
	[smem:$0x3FD2] =	sst s25  }
0xa6: {  	s5 =	sshll.u32 s26, $0x1;
	_ =	strace $0x80000046;
	[dreg:$0x1] =	wrdreg $0xFFFFFFFF  }
0xa7: {  	s28 =	simm.s32 $_size_execute0_lowered;
	s3 =	sadd.s32 s3, s5;
	[dreg:$0x0] =	wrdreg $0x0  }
0xa8: {  	s5 =	sshll.u32 s28, $0x1;
	[dreg:$0x2] =	wrdreg s3  }
0xa9: {  	[dreg:$0x3] =	wrdreg s5  }
0xaa: {  	[dreg:$0x4] =	wrdreg $0xC0  }
0xab: {  	_ =	task [dreg:s7], $0x5FFFF  }
0xac: {  	[dreg:$0x1] =	wrdreg $0xFFFFFFFF  }
0xad: {  	[dreg:$0x0] =	wrdreg $0x60  }
0xae: {  	[dreg:$0x2] =	wrdreg s24  }
0xaf: {  	[dreg:$0x3] =	wrdreg s2  }
0xb0: {  	[dreg:$0x4] =	wrdreg $0x9  }
0xb1: {  	_ =	task.clear_ibuf [dreg:s7], $0x5FFFF;
	_ =	strace $0x90000046  }
0xb2: {  	s29 =	simm.s32 $0x9;
	_ =	strace $0x80000048  }
0xb3: {  	_ =	swait.ge [sflag:s29], $0x1  }
0xb4: {  	[sflag:s29] =	ssyncadd.s32 $0xFFFFFFFF  }
0xb5: {  	_ =	strace $0x90000048  }
0xb6: {  	_ =	sfence  }
0xb7: {  	s30 =	sld [smem:$0x0];
	_ =	sdelay $0x2  }
0xb8: {  	s31 =	sshll.u32 s1, $0xD;
	s1 =	sshrl.u32 s1, $0x2  }
0xb9: {  	s3 =	sand.u32 $0x4000, s31;
	s1 =	sadd.s32 s1, s30  }
0xba: {  	s0 =	sor.u32 s3, s0;
	s1 =	sshll.u32 s1, $0x11  }
0xbb: {  	s0 =	sor.u32 s1, s0  }
0xbc: {  	s0 =	sadd.s32 $0x8F2B, s0  }
0xbd: {  	[sflag:s0] =	ssyncadd.remote.s32 $0x1  }
0xbe: {  	_ =	sfence.sel $0xFFFF  }
0xbf: {  	[dreg:$0x0] =	wrdreg $0xFFFFFFFF;
	(pc) =	sbr.abs _section_cstart, $3  }
0xc0: {  	[dreg:$0x1] =	wrdreg $0xFFFFFFFF  }
0xc1: {  	_ =	task.clear_ibuf [dreg:s7], $0x2FFFF;
	_ =	strace $0x9FFFFFFF  }
0xc2: {  	(tm) =	ssettm $0x7FFFFFFF  }
0xc3: {  	_ =	shalt  }
tec
execute0_lowered:
.L_overlay_start_1:
0x0: {  	(tag) =	ssettag $0x1  }
0x1: {  	s0 =	srdreg.scid;
	s1 =	rddreg [dreg:$0x0]  }
0x2: {  	s7 =	rddreg [dreg:$0x1];
	s4 =	stileid.u32  }
0x3: {  	s2 =	simm.s32 $0x0;
	s10 =	simm.s32 $0x3;
	s11 =	simm.s32 $0x1C00  }
0x4: {  	s12 =	simm.s32 $0xD800;
	s13 =	simm.s32 $0xD810;
	s14 =	simm.s32 $0xD820  }
0x5: {  	s15 =	simm.s32 $0xD830;
	s16 =	simm.s32 $0xD840;
	s17 =	simm.s32 $0xD850  }
0x6: {  	s18 =	simm.s32 $0xD860;
	s19 =	simm.s32 $0xD870;
	s20 =	simm.s32 $0x80  }
0x7: {  	s22 =	simm.s32 $0x5800;
	s23 =	simm.s32 $0x7800;
	s24 =	simm.s32 $0x9800  }
0x8: {  	s25 =	simm.s32 $0x1;
	s26 =	simm.s32 $0x2;
	s28 =	simm.s32 $0xB800  }
0x9: {  	s29 =	simm.s32 $0x0;
	s0 =	sand.u32 $0x1, s0;
	[smem:$0x7FF] =	sst s2  }
0xa: {  	s3 =	sshll.u32 s0, $0x4;
	_ =	strace $0x80000047;
	s0 =	ssub.s32 $0x2, s0  }
0xb: {  	s5 =	sor.u32 s4, s3;
	s4 =	sadd.s32 $0x189E00, s1;
	s9 =	sshrl.u32 s0, $0x1  }
0xc: {  	s3 =	smul.u32 $0x380, s5;
	s0 =	ssub.s32 s0, s9;
	s31 =	sshll.u32 s5, $0xA  }
0xd: {  	s8 =	sshll.u32 s5, $0x4;
	s7 =	sadd.s32 s7, s31;
	s9 =	smax.u32 s0, $0x1  }
0xe: {  	s6 =	sadd.s32 s3, s1;
	s3 =	sadd.s32 $0x24D400, s1;
	s1 =	sadd.s32 s8, s1  }
0xf: {  	v0 =	vimm.f32 $0.0e+00;
	v1 =	vimm.f32 $1.000000000e+00;
	s5 =	sadd.s32 $0x3400, s6;
	s6 =	sadd.s32 $0xA400, s6;
	s8 =	sadd.s32 $0x11400, s1  }
.LBB2_1:
0x10: {  	[tilespmem:s2], [sflag:$0x3] =	stream.linear.gather [hbm4b:s5+s2], $0x1C00, $0x38;
	[tilespmem:$0xD880] =	vst v63  }
0x11: {  	_ =	swait.ge [sflag:s10], $0x1C00  }
0x12: {  	[sflag:s10] =	ssyncset.done $0x0  }
0x13: {  	[sflag:s10] =	ssyncadd.s32 $0xFFFFE400  }
0x14: {  	[tilespmem:s11], [sflag:$0x3] =	stream.linear.gather [hbm4b:s6+s2], $0x1C00, $0x38;
	[tilespmem:$0xD880] =	vst v63  }
0x15: {  	_ =	swait.ge [sflag:s10], $0x1C00  }
0x16: {  	[sflag:s10] =	ssyncset.done $0x0  }
0x17: {  	[sflag:s10] =	ssyncadd.s32 $0xFFFFE400  }
0x18: {  	[tilespmem:$0xD800] =	vst v0  }
0x19: {  	[tilespmem:$0xD810] =	vst v0  }
0x1a: {  	[tilespmem:$0xD820] =	vst v0  }
0x1b: {  	[tilespmem:$0xD830] =	vst v0  }
0x1c: {  	[tilespmem:$0xD840] =	vst v0  }
0x1d: {  	[tilespmem:$0xD850] =	vst v0  }
0x1e: {  	[tilespmem:$0xD860] =	vst v0  }
0x1f: {  	s0 =	simm.s32 $0x0;
	[tilespmem:$0xD870] =	vst v0  }
.LBB2_2:
0x20: {  	p0 =	sne.s32 s0, $0x7F00  }
.Ltmp0:
0x21: {  	s1 =	sshra.s32 s0, $0x2;
	(pc) =	sbr.rel @p0 .LBB2_2-.Ltmp0, $4  }
0x22: {  	[tilespmem:s1+$0xB800] =	vst v0  }
0x23: {  	[tilespmem:s1+$0xB810] =	vst v0  }
0x24: {  	[tilespmem:s1+$0xB820] =	vst v0  }
0x25: {  	s0 =	sadd.s32 $0x100, s0;
	[tilespmem:s1+$0xB830] =	vst v0  }
0x26: {  	s1 =	simm.s32 $0x0  }
0x27: {  	v2 =	vld [tilespmem:s1+$0x0]  }
0x28: {  	v3 =	vld [tilespmem:s1+$0x1C00];
	_ =	sdelay $0x3  }
0x29: {  	vm0 =	veq.s32 v2, $0x0  }
0x2a: {  	v2 =	vsel vm0, $0x0, v3  }
0x2b: {  	[tilespmem:s1+$0x1C00] =	vst v2;
	v2 =	vsel vm0, $0x0, v1  }
0x2c: {  	[tilespmem:s12+$0x0] =	vst.add.f32.msk $0xffff, v2  }
0x2d: {  	v2 =	vld [tilespmem:s1+$0x10]  }
0x2e: {  	v3 =	vld [tilespmem:s1+$0x1C10];
	_ =	sdelay $0x3  }
0x2f: {  	vm9 =	veq.s32 v2, $0x0  }
0x30: {  	v2 =	vsel vm9, $0x0, v3  }
0x31: {  	[tilespmem:s1+$0x1C10] =	vst v2;
	v2 =	vsel vm9, $0x0, v1  }
0x32: {  	[tilespmem:s13+$0x0] =	vst.add.f32.msk $0xffff, v2  }
0x33: {  	v2 =	vld [tilespmem:s1+$0x20]  }
0x34: {  	v3 =	vld [tilespmem:s1+$0x1C20];
	_ =	sdelay $0x3  }
0x35: {  	vm10 =	veq.s32 v2, $0x0  }
0x36: {  	v2 =	vsel vm10, $0x0, v3  }
0x37: {  	[tilespmem:s1+$0x1C20] =	vst v2;
	v2 =	vsel vm10, $0x0, v1  }
0x38: {  	[tilespmem:s14+$0x0] =	vst.add.f32.msk $0xffff, v2  }
0x39: {  	v2 =	vld [tilespmem:s1+$0x30]  }
0x3a: {  	v3 =	vld [tilespmem:s1+$0x1C30];
	_ =	sdelay $0x3  }
0x3b: {  	vm11 =	veq.s32 v2, $0x0  }
0x3c: {  	v2 =	vsel vm11, $0x0, v3  }
0x3d: {  	[tilespmem:s1+$0x1C30] =	vst v2;
	v2 =	vsel vm11, $0x0, v1  }
0x3e: {  	[tilespmem:s15+$0x0] =	vst.add.f32.msk $0xffff, v2  }
0x3f: {  	v2 =	vld [tilespmem:s1+$0x40]  }
0x40: {  	v3 =	vld [tilespmem:s1+$0x1C40];
	_ =	sdelay $0x3  }
0x41: {  	vm12 =	veq.s32 v2, $0x0  }
0x42: {  	v2 =	vsel vm12, $0x0, v3  }
0x43: {  	[tilespmem:s1+$0x1C40] =	vst v2;
	v2 =	vsel vm12, $0x0, v1  }
0x44: {  	[tilespmem:s16+$0x0] =	vst.add.f32.msk $0xffff, v2  }
0x45: {  	v2 =	vld [tilespmem:s1+$0x50]  }
0x46: {  	v3 =	vld [tilespmem:s1+$0x1C50];
	_ =	sdelay $0x3  }
0x47: {  	vm13 =	veq.s32 v2, $0x0  }
0x48: {  	v2 =	vsel vm13, $0x0, v3  }
0x49: {  	[tilespmem:s1+$0x1C50] =	vst v2;
	v2 =	vsel vm13, $0x0, v1  }
0x4a: {  	[tilespmem:s17+$0x0] =	vst.add.f32.msk $0xffff, v2  }
0x4b: {  	v2 =	vld [tilespmem:s1+$0x60]  }
0x4c: {  	v3 =	vld [tilespmem:s1+$0x1C60];
	_ =	sdelay $0x3  }
0x4d: {  	vm14 =	veq.s32 v2, $0x0  }
0x4e: {  	v2 =	vsel vm14, $0x0, v3  }
0x4f: {  	[tilespmem:s1+$0x1C60] =	vst v2;
	v2 =	vsel vm14, $0x0, v1  }
0x50: {  	[tilespmem:s18+$0x0] =	vst.add.f32.msk $0xffff, v2  }
0x51: {  	v2 =	vld [tilespmem:s1+$0x70]  }
0x52: {  	v3 =	vld [tilespmem:s1+$0x1C70];
	_ =	sdelay $0x3  }
0x53: {  	vm15 =	veq.s32 v2, $0x0  }
0x54: {  	v2 =	vsel vm15, $0x0, v3  }
0x55: {  	s0 =	simm.s32 $0x200;
	s30 =	simm.s32 $0x400;
	[tilespmem:s1+$0x1C70] =	vst v2;
	v2 =	vsel vm15, $0x0, v1  }
.LBB2_4:
0x56: {  	p0 =	sne.s32 s30, $0x6200  }
0x57: {  	s31 =	sshra.s32 s0, $0x2;
	[tilespmem:s19+$0x0] =	vst.add.f32.msk $0xffff, v2;
	s0 =	smov.u32 s30;
	s30 =	sadd.s32 $0x200, s30  }
0x58: {  	v2 =	vld [tilespmem:s31+$0x0]  }
0x59: {  	v3 =	vld [tilespmem:s31+$0x1C00];
	_ =	sdelay $0x3  }
0x5a: {  	vm0 =	veq.s32 v2, $0x0  }
0x5b: {  	v2 =	vsel vm0, $0x0, v3  }
0x5c: {  	[tilespmem:s31+$0x1C00] =	vst v2;
	v2 =	vsel vm0, $0x0, v1  }
0x5d: {  	[tilespmem:s12+$0x0] =	vst.add.f32.msk $0xffff, v2  }
0x5e: {  	v2 =	vld [tilespmem:s31+$0x10]  }
0x5f: {  	v3 =	vld [tilespmem:s31+$0x1C10];
	_ =	sdelay $0x3  }
0x60: {  	vm0 =	veq.s32 v2, $0x0  }
0x61: {  	v2 =	vsel vm0, $0x0, v3  }
0x62: {  	[tilespmem:s31+$0x1C10] =	vst v2;
	v2 =	vsel vm0, $0x0, v1  }
0x63: {  	[tilespmem:s13+$0x0] =	vst.add.f32.msk $0xffff, v2  }
0x64: {  	v2 =	vld [tilespmem:s31+$0x20]  }
0x65: {  	v3 =	vld [tilespmem:s31+$0x1C20];
	_ =	sdelay $0x3  }
0x66: {  	vm0 =	veq.s32 v2, $0x0  }
0x67: {  	v2 =	vsel vm0, $0x0, v3  }
0x68: {  	[tilespmem:s31+$0x1C20] =	vst v2;
	v2 =	vsel vm0, $0x0, v1  }
0x69: {  	[tilespmem:s14+$0x0] =	vst.add.f32.msk $0xffff, v2  }
0x6a: {  	v2 =	vld [tilespmem:s31+$0x30]  }
0x6b: {  	v3 =	vld [tilespmem:s31+$0x1C30];
	_ =	sdelay $0x3  }
0x6c: {  	vm0 =	veq.s32 v2, $0x0  }
0x6d: {  	v2 =	vsel vm0, $0x0, v3  }
0x6e: {  	[tilespmem:s31+$0x1C30] =	vst v2;
	v2 =	vsel vm0, $0x0, v1  }
0x6f: {  	[tilespmem:s15+$0x0] =	vst.add.f32.msk $0xffff, v2  }
0x70: {  	v2 =	vld [tilespmem:s31+$0x40]  }
0x71: {  	v3 =	vld [tilespmem:s31+$0x1C40];
	_ =	sdelay $0x3  }
0x72: {  	vm0 =	veq.s32 v2, $0x0  }
0x73: {  	v2 =	vsel vm0, $0x0, v3  }
0x74: {  	[tilespmem:s31+$0x1C40] =	vst v2;
	v2 =	vsel vm0, $0x0, v1  }
0x75: {  	[tilespmem:s16+$0x0] =	vst.add.f32.msk $0xffff, v2  }
0x76: {  	v2 =	vld [tilespmem:s31+$0x50]  }
0x77: {  	v3 =	vld [tilespmem:s31+$0x1C50];
	_ =	sdelay $0x3  }
0x78: {  	vm0 =	veq.s32 v2, $0x0  }
0x79: {  	v2 =	vsel vm0, $0x0, v3  }
0x7a: {  	[tilespmem:s31+$0x1C50] =	vst v2;
	v2 =	vsel vm0, $0x0, v1  }
0x7b: {  	[tilespmem:s17+$0x0] =	vst.add.f32.msk $0xffff, v2  }
0x7c: {  	v2 =	vld [tilespmem:s31+$0x60]  }
0x7d: {  	v3 =	vld [tilespmem:s31+$0x1C60];
	_ =	sdelay $0x3  }
0x7e: {  	vm0 =	veq.s32 v2, $0x0  }
0x7f: {  	v2 =	vsel vm0, $0x0, v3  }
0x80: {  	[tilespmem:s31+$0x1C60] =	vst v2;
	v2 =	vsel vm0, $0x0, v1  }
0x81: {  	[tilespmem:s18+$0x0] =	vst.add.f32.msk $0xffff, v2  }
0x82: {  	v2 =	vld [tilespmem:s31+$0x70]  }
0x83: {  	v3 =	vld [tilespmem:s31+$0x1C70];
	_ =	sdelay $0x1  }
.Ltmp1:
0x84: {  	(pc) =	sbr.rel @p0 .LBB2_4-.Ltmp1, $4  }
0x85: {  	_ = 	snop  }
0x86: {  	vm0 =	veq.s32 v2, $0x0  }
0x87: {  	v2 =	vsel vm0, $0x0, v3  }
0x88: {  	[tilespmem:s31+$0x1C70] =	vst v2;
	v2 =	vsel vm0, $0x0, v1  }
0x89: {  	s0 =	sshra.s32 s0, $0x2;
	[tilespmem:s19+$0x0] =	vst.add.f32.msk $0xffff, v2  }
0x8a: {  	v2 =	vld [tilespmem:s0+$0x0]  }
0x8b: {  	v3 =	vld [tilespmem:s0+$0x1C00];
	_ =	sdelay $0x3  }
0x8c: {  	vm0 =	veq.s32 v2, $0x0  }
0x8d: {  	v2 =	vsel vm0, $0x0, v3  }
0x8e: {  	[tilespmem:s0+$0x1C00] =	vst v2;
	v2 =	vsel vm0, $0x0, v1  }
0x8f: {  	[tilespmem:s12+$0x0] =	vst.add.f32.msk $0xffff, v2  }
0x90: {  	v2 =	vld [tilespmem:s0+$0x10]  }
0x91: {  	v3 =	vld [tilespmem:s0+$0x1C10];
	_ =	sdelay $0x3  }
0x92: {  	vm9 =	veq.s32 v2, $0x0  }
0x93: {  	v2 =	vsel vm9, $0x0, v3  }
0x94: {  	[tilespmem:s0+$0x1C10] =	vst v2;
	v2 =	vsel vm9, $0x0, v1  }
0x95: {  	[tilespmem:s13+$0x0] =	vst.add.f32.msk $0xffff, v2  }
0x96: {  	v2 =	vld [tilespmem:s0+$0x20]  }
0x97: {  	v3 =	vld [tilespmem:s0+$0x1C20];
	_ =	sdelay $0x3  }
0x98: {  	vm10 =	veq.s32 v2, $0x0  }
0x99: {  	v2 =	vsel vm10, $0x0, v3  }
0x9a: {  	[tilespmem:s0+$0x1C20] =	vst v2;
	v2 =	vsel vm10, $0x0, v1  }
0x9b: {  	[tilespmem:s14+$0x0] =	vst.add.f32.msk $0xffff, v2  }
0x9c: {  	v2 =	vld [tilespmem:s0+$0x30]  }
0x9d: {  	v3 =	vld [tilespmem:s0+$0x1C30];
	_ =	sdelay $0x3  }
0x9e: {  	vm11 =	veq.s32 v2, $0x0  }
0x9f: {  	v2 =	vsel vm11, $0x0, v3  }
0xa0: {  	[tilespmem:s0+$0x1C30] =	vst v2;
	v2 =	vsel vm11, $0x0, v1  }
0xa1: {  	[tilespmem:s15+$0x0] =	vst.add.f32.msk $0xffff, v2  }
0xa2: {  	v2 =	vld [tilespmem:s0+$0x40]  }
0xa3: {  	v3 =	vld [tilespmem:s0+$0x1C40];
	_ =	sdelay $0x3  }
0xa4: {  	vm12 =	veq.s32 v2, $0x0  }
0xa5: {  	v2 =	vsel vm12, $0x0, v3  }
0xa6: {  	[tilespmem:s0+$0x1C40] =	vst v2;
	v2 =	vsel vm12, $0x0, v1  }
0xa7: {  	[tilespmem:s16+$0x0] =	vst.add.f32.msk $0xffff, v2  }
0xa8: {  	v2 =	vld [tilespmem:s0+$0x50]  }
0xa9: {  	v3 =	vld [tilespmem:s0+$0x1C50];
	_ =	sdelay $0x3  }
0xaa: {  	vm13 =	veq.s32 v2, $0x0  }
0xab: {  	v2 =	vsel vm13, $0x0, v3  }
0xac: {  	[tilespmem:s0+$0x1C50] =	vst v2;
	v2 =	vsel vm13, $0x0, v1  }
0xad: {  	[tilespmem:s17+$0x0] =	vst.add.f32.msk $0xffff, v2  }
0xae: {  	v2 =	vld [tilespmem:s0+$0x60]  }
0xaf: {  	v3 =	vld [tilespmem:s0+$0x1C60];
	_ =	sdelay $0x3  }
0xb0: {  	vm14 =	veq.s32 v2, $0x0  }
0xb1: {  	v2 =	vsel vm14, $0x0, v3  }
0xb2: {  	[tilespmem:s0+$0x1C60] =	vst v2;
	v2 =	vsel vm14, $0x0, v1  }
0xb3: {  	[tilespmem:s18+$0x0] =	vst.add.f32.msk $0xffff, v2  }
0xb4: {  	v2 =	vld [tilespmem:s0+$0x70]  }
0xb5: {  	v3 =	vld [tilespmem:s0+$0x1C70];
	_ =	sdelay $0x3  }
0xb6: {  	vm15 =	veq.s32 v2, $0x0  }
0xb7: {  	v2 =	vsel vm15, $0x0, v3  }
0xb8: {  	[tilespmem:s0+$0x1C70] =	vst v2;
	v2 =	vsel vm15, $0x0, v1  }
0xb9: {  	s30 =	simm.s32 $0x0;
	s31 =	simm.s32 $0x3800;
	[tilespmem:s19+$0x0] =	vst.add.f32.msk $0xffff, v2  }
0xba: {  	[tilespmem:s31], [sflag:$0x1] =	stream.indirect.gather [hbm4b:s3+s20], $0x40, s30, s20, $0xb8;
	[tilespmem:$0xD880] =	vst v63  }
0xbb: {  	_ = 	snop  }
0xbc: {  	[tilespmem:s22], [sflag:$0x1] =	stream.indirect.gather [hbm4b:s4+s20], $0x40, s11, s20, $0xb8;
	[tilespmem:$0xD880] =	vst v63  }
.LBB2_6:
0xbd: {  	s31 =	sshll.u32 s30, $0x8  }
0xbe: {  	s0 =	sor.u32 $0x80, s31  }
0xbf: {  	[tilespmem:s23], [sflag:$0x2] =	stream.indirect.gather [hbm4b:s3+s20], $0x40, s0, s20, $0xb8;
	[tilespmem:$0xD880] =	vst v63  }
0xc0: {  	s21 =	sadd.s32 $0x1C80, s31  }
0xc1: {  	[tilespmem:s24], [sflag:$0x2] =	stream.indirect.gather [hbm4b:s4+s20], $0x40, s21, s20, $0xb8;
	[tilespmem:$0xD880] =	vst v63  }
0xc2: {  	_ =	swait.ge [sflag:s25], $0x2000  }
0xc3: {  	[sflag:s25] =	ssyncset.done $0x0  }
0xc4: {  	[sflag:s25] =	ssyncadd.s32 $0xFFFFE000  }
0xc5: {  	_ =	swait.ge [sflag:s25], $0x2000  }
0xc6: {  	[sflag:s25] =	ssyncset.done $0x0  }
0xc7: {  	s0 =	simm.s32 $0x0;
	[sflag:s25] =	ssyncadd.s32 $0xFFFFE000  }
0xc8: {  	s1 =	simm.s32 $0x400;
	v2 =	vld [tilespmem:s0+$0x38F0]  }
.LBB2_7:
0xc9: {  	p0 =	sne.s32 s1, $0x7C00;
	v3 =	vld [tilespmem:s0+$0x58F0]  }
0xca: {  	v4 =	vld [tilespmem:s0+$0x3800]  }
0xcb: {  	v5 =	vld [tilespmem:s0+$0x5800]  }
0xcc: {  	v6 =	vld [tilespmem:s0+$0x3810]  }
0xcd: {  	v7 =	vld [tilespmem:s0+$0x5810]  }
0xce: {  	v8 =	vld [tilespmem:s0+$0x3820];
	v2 =	vadd.f32 v3, v2  }
0xcf: {  	v3 =	vld [tilespmem:s0+$0x5820]  }
0xd0: {  	v4 =	vadd.f32 v5, v4;
	[tilespmem:s0+$0xB8F0] =	vst.add.f32.msk $0xffff, v2  }
0xd1: {  	v2 =	vld [tilespmem:s0+$0x3830]  }
0xd2: {  	v5 =	vadd.f32 v7, v6;
	v6 =	vld [tilespmem:s0+$0x5830]  }
0xd3: {  	v7 =	vld [tilespmem:s0+$0x3840]  }
0xd4: {  	v3 =	vadd.f32 v3, v8;
	v8 =	vld [tilespmem:s0+$0x5840]  }
0xd5: {  	v9 =	vld [tilespmem:s0+$0x3850]  }
0xd6: {  	v10 =	vld [tilespmem:s0+$0x5850]  }
0xd7: {  	v2 =	vadd.f32 v6, v2;
	v6 =	vld [tilespmem:s0+$0x3860]  }
0xd8: {  	v11 =	vld [tilespmem:s0+$0x5860]  }
0xd9: {  	v7 =	vadd.f32 v8, v7;
	v8 =	vld [tilespmem:s0+$0x3870]  }
0xda: {  	v12 =	vld [tilespmem:s0+$0x5870]  }
0xdb: {  	v9 =	vadd.f32 v10, v9;
	v10 =	vld [tilespmem:s0+$0x3880]  }
0xdc: {  	v13 =	vld [tilespmem:s0+$0x5880]  }
0xdd: {  	v6 =	vadd.f32 v11, v6;
	v11 =	vld [tilespmem:s0+$0x3890]  }
0xde: {  	v14 =	vld [tilespmem:s0+$0x5890]  }
0xdf: {  	v8 =	vadd.f32 v12, v8;
	v12 =	vld [tilespmem:s0+$0x38A0]  }
0xe0: {  	v15 =	vld [tilespmem:s0+$0x58A0]  }
0xe1: {  	v10 =	vadd.f32 v13, v10;
	v13 =	vld [tilespmem:s0+$0x38B0]  }
0xe2: {  	v16 =	vld [tilespmem:s0+$0x58B0]  }
0xe3: {  	v11 =	vadd.f32 v14, v11;
	v14 =	vld [tilespmem:s0+$0x38C0]  }
0xe4: {  	v17 =	vld [tilespmem:s0+$0x58C0]  }
0xe5: {  	v12 =	vadd.f32 v15, v12;
	v15 =	vld [tilespmem:s0+$0x38D0]  }
0xe6: {  	v18 =	vld [tilespmem:s0+$0x58D0]  }
0xe7: {  	v13 =	vadd.f32 v16, v13;
	v16 =	vld [tilespmem:s0+$0x38E0]  }
0xe8: {  	v19 =	vld [tilespmem:s0+$0x58E0]  }
0xe9: {  	[tilespmem:s0+$0xB800] =	vst.add.f32.msk $0xffff, v4;
	v4 =	vadd.f32 v17, v14  }
0xea: {  	[tilespmem:s0+$0xB810] =	vst.add.f32.msk $0xffff, v5  }
0xeb: {  	[tilespmem:s0+$0xB820] =	vst.add.f32.msk $0xffff, v3;
	v3 =	vadd.f32 v18, v15  }
0xec: {  	[tilespmem:s0+$0xB830] =	vst.add.f32.msk $0xffff, v2  }
0xed: {  	[tilespmem:s0+$0xB840] =	vst.add.f32.msk $0xffff, v7;
	v2 =	vadd.f32 v19, v16  }
0xee: {  	[tilespmem:s0+$0xB850] =	vst.add.f32.msk $0xffff, v9  }
0xef: {  	[tilespmem:s0+$0xB860] =	vst.add.f32.msk $0xffff, v6  }
0xf0: {  	[tilespmem:s0+$0xB870] =	vst.add.f32.msk $0xffff, v8  }
0xf1: {  	[tilespmem:s0+$0xB880] =	vst.add.f32.msk $0xffff, v10  }
0xf2: {  	[tilespmem:s0+$0xB890] =	vst.add.f32.msk $0xffff, v11  }
0xf3: {  	[tilespmem:s0+$0xB8A0] =	vst.add.f32.msk $0xffff, v12  }
.Ltmp2:
0xf4: {  	[tilespmem:s0+$0xB8B0] =	vst.add.f32.msk $0xffff, v13;
	(pc) =	sbr.rel @p0 .LBB2_7-.Ltmp2, $4  }
0xf5: {  	[tilespmem:s0+$0xB8C0] =	vst.add.f32.msk $0xffff, v4  }
0xf6: {  	[tilespmem:s0+$0xB8D0] =	vst.add.f32.msk $0xffff, v3  }
0xf7: {  	[tilespmem:s0+$0xB8E0] =	vst.add.f32.msk $0xffff, v2;
	s0 =	sshra.s32 s1, $0x2  }
0xf8: {  	s1 =	sadd.s32 $0x400, s1;
	v2 =	vld [tilespmem:s0+$0x38F0]  }
0xf9: {  	v3 =	vld [tilespmem:s0+$0x58F0]  }
0xfa: {  	v4 =	vld [tilespmem:s0+$0x3800]  }
0xfb: {  	v5 =	vld [tilespmem:s0+$0x5800]  }
0xfc: {  	v6 =	vld [tilespmem:s0+$0x3810]  }
0xfd: {  	v7 =	vld [tilespmem:s0+$0x5810]  }
0xfe: {  	v8 =	vld [tilespmem:s0+$0x3820]  }
0xff: {  	v9 =	vld [tilespmem:s0+$0x5830]  }
0x100: {  	v10 =	vld [tilespmem:s0+$0x3840]  }
0x101: {  	v11 =	vld [tilespmem:s0+$0x5840]  }
0x102: {  	v12 =	vld [tilespmem:s0+$0x3850]  }
0x103: {  	v13 =	vld [tilespmem:s0+$0x5850]  }
0x104: {  	v14 =	vld [tilespmem:s0+$0x3860]  }
0x105: {  	v15 =	vld [tilespmem:s0+$0x5860]  }
0x106: {  	v16 =	vld [tilespmem:s0+$0x3870]  }
0x107: {  	v17 =	vld [tilespmem:s0+$0x5870]  }
0x108: {  	v18 =	vld [tilespmem:s0+$0x3880]  }
0x109: {  	v19 =	vld [tilespmem:s0+$0x5880]  }
0x10a: {  	v20 =	vld [tilespmem:s0+$0x3890]  }
0x10b: {  	v21 =	vld [tilespmem:s0+$0x5890]  }
0x10c: {  	v22 =	vld [tilespmem:s0+$0x38A0]  }
0x10d: {  	v23 =	vld [tilespmem:s0+$0x58A0]  }
0x10e: {  	v24 =	vld [tilespmem:s0+$0x38B0]  }
0x10f: {  	v25 =	vld [tilespmem:s0+$0x58B0]  }
0x110: {  	v26 =	vld [tilespmem:s0+$0x38C0]  }
0x111: {  	v27 =	vld [tilespmem:s0+$0x58C0]  }
0x112: {  	v28 =	vld [tilespmem:s0+$0x38D0]  }
0x113: {  	v29 =	vld [tilespmem:s0+$0x58D0]  }
0x114: {  	v58 =	vld [tilespmem:s0+$0x38E0]  }
0x115: {  	v59 =	vld [tilespmem:s0+$0x58E0];
	v2 =	vadd.f32 v3, v2  }
0x116: {  	v3 =	vld [tilespmem:s0+$0x5820]  }
0x117: {  	v4 =	vadd.f32 v5, v4;
	[tilespmem:s0+$0xB8F0] =	vst.add.f32.msk $0xffff, v2  }
0x118: {  	v6 =	vadd.f32 v7, v6;
	v2 =	vld [tilespmem:s0+$0x3830]  }
0x119: {  	v60 =	vadd.f32 v11, v10;
	[tilespmem:s0+$0xB800] =	vst.add.f32.msk $0xffff, v4  }
0x11a: {  	v61 =	vadd.f32 v17, v16;
	[tilespmem:s0+$0xB810] =	vst.add.f32.msk $0xffff, v6  }
0x11b: {  	v62 =	vadd.f32 v23, v22;
	[tilespmem:s0+$0xB840] =	vst.add.f32.msk $0xffff, v60  }
0x11c: {  	v63 =	vadd.f32 v29, v28;
	[tilespmem:s0+$0xB870] =	vst.add.f32.msk $0xffff, v61  }
0x11d: {  	[tilespmem:s0+$0xB8A0] =	vst.add.f32.msk $0xffff, v62;
	v3 =	vadd.f32 v3, v8  }
0x11e: {  	[tilespmem:s0+$0xB8D0] =	vst.add.f32.msk $0xffff, v63;
	v2 =	vadd.f32 v9, v2  }
0x11f: {  	[tilespmem:s0+$0xB820] =	vst.add.f32.msk $0xffff, v3;
	v3 =	vadd.f32 v13, v12  }
0x120: {  	[tilespmem:s0+$0xB830] =	vst.add.f32.msk $0xffff, v2;
	v2 =	vadd.f32 v15, v14  }
0x121: {  	[tilespmem:s0+$0xB850] =	vst.add.f32.msk $0xffff, v3;
	v3 =	vadd.f32 v19, v18  }
0x122: {  	[tilespmem:s0+$0xB860] =	vst.add.f32.msk $0xffff, v2;
	v2 =	vadd.f32 v21, v20  }
0x123: {  	[tilespmem:s0+$0xB880] =	vst.add.f32.msk $0xffff, v3;
	v3 =	vadd.f32 v25, v24  }
0x124: {  	[tilespmem:s0+$0xB890] =	vst.add.f32.msk $0xffff, v2;
	v2 =	vadd.f32 v27, v26  }
0x125: {  	[tilespmem:s0+$0xB8B0] =	vst.add.f32.msk $0xffff, v3;
	v3 =	vadd.f32 v59, v58  }
0x126: {  	p0 =	seq.s32 s30, $0x18;
	[tilespmem:s0+$0xB8C0] =	vst.add.f32.msk $0xffff, v2  }
0x127: {  	s1 =	simm.s32 @!p0 $0x80;
	s21 =	simm.s32 @!p0 $0x3800;
	[tilespmem:s0+$0xB8E0] =	vst.add.f32.msk $0xffff, v3;
	s0 =	sadd.s32 @!p0 $0x100, s31  }
0x128: {  	[tilespmem:s21], [sflag:$0x1] =	stream.indirect.gather @!p0 [hbm4b:s3+s1], $0x40, s0, s1, $0xb8;
	[tilespmem:$0xD880] =	vst v63  }
0x129: {  	s0 =	sadd.s32 @!p0 $0x1D00, s31;
	s21 =	simm.s32 @!p0 $0x5800  }
0x12a: {  	[tilespmem:s21], [sflag:$0x1] =	stream.indirect.gather @!p0 [hbm4b:s4+s1], $0x40, s0, s1, $0xb8;
	[tilespmem:$0xD880] =	vst v63  }
0x12b: {  	_ =	swait.ge [sflag:s26], $0x2000  }
0x12c: {  	[sflag:s26] =	ssyncset.done $0x0  }
0x12d: {  	[sflag:s26] =	ssyncadd.s32 $0xFFFFE000  }
0x12e: {  	_ =	swait.ge [sflag:s26], $0x2000  }
0x12f: {  	[sflag:s26] =	ssyncset.done $0x0  }
0x130: {  	s31 =	simm.s32 $0x0;
	[sflag:s26] =	ssyncadd.s32 $0xFFFFE000  }
0x131: {  	s0 =	simm.s32 $0x400;
	v2 =	vld [tilespmem:s31+$0x78F0]  }
.LBB2_9:
0x132: {  	p0 =	sne.s32 s0, $0x7C00;
	v3 =	vld [tilespmem:s31+$0x98F0]  }
0x133: {  	v4 =	vld [tilespmem:s31+$0x7800]  }
0x134: {  	v5 =	vld [tilespmem:s31+$0x9800]  }
0x135: {  	v6 =	vld [tilespmem:s31+$0x7810]  }
0x136: {  	v7 =	vld [tilespmem:s31+$0x9810]  }
0x137: {  	v8 =	vld [tilespmem:s31+$0x7820];
	v2 =	vadd.f32 v3, v2  }
0x138: {  	v3 =	vld [tilespmem:s31+$0x9820]  }
0x139: {  	v4 =	vadd.f32 v5, v4;
	[tilespmem:s31+$0xB8F0] =	vst.add.f32.msk $0xffff, v2  }
0x13a: {  	v2 =	vld [tilespmem:s31+$0x7830]  }
0x13b: {  	v5 =	vadd.f32 v7, v6;
	v6 =	vld [tilespmem:s31+$0x9830]  }
0x13c: {  	v7 =	vld [tilespmem:s31+$0x7840]  }
0x13d: {  	v3 =	vadd.f32 v3, v8;
	v8 =	vld [tilespmem:s31+$0x9840]  }
0x13e: {  	v9 =	vld [tilespmem:s31+$0x7850]  }
0x13f: {  	v10 =	vld [tilespmem:s31+$0x9850]  }
0x140: {  	v2 =	vadd.f32 v6, v2;
	v6 =	vld [tilespmem:s31+$0x7860]  }
0x141: {  	v11 =	vld [tilespmem:s31+$0x9860]  }
0x142: {  	v7 =	vadd.f32 v8, v7;
	v8 =	vld [tilespmem:s31+$0x7870]  }
0x143: {  	v12 =	vld [tilespmem:s31+$0x9870]  }
0x144: {  	v9 =	vadd.f32 v10, v9;
	v10 =	vld [tilespmem:s31+$0x7880]  }
0x145: {  	v13 =	vld [tilespmem:s31+$0x9880]  }
0x146: {  	v6 =	vadd.f32 v11, v6;
	v11 =	vld [tilespmem:s31+$0x7890]  }
0x147: {  	v14 =	vld [tilespmem:s31+$0x9890]  }
0x148: {  	v8 =	vadd.f32 v12, v8;
	v12 =	vld [tilespmem:s31+$0x78A0]  }
0x149: {  	v15 =	vld [tilespmem:s31+$0x98A0]  }
0x14a: {  	v10 =	vadd.f32 v13, v10;
	v13 =	vld [tilespmem:s31+$0x78B0]  }
0x14b: {  	v16 =	vld [tilespmem:s31+$0x98B0]  }
0x14c: {  	v11 =	vadd.f32 v14, v11;
	v14 =	vld [tilespmem:s31+$0x78C0]  }
0x14d: {  	v17 =	vld [tilespmem:s31+$0x98C0]  }
0x14e: {  	v12 =	vadd.f32 v15, v12;
	v15 =	vld [tilespmem:s31+$0x78D0]  }
0x14f: {  	v18 =	vld [tilespmem:s31+$0x98D0]  }
0x150: {  	v13 =	vadd.f32 v16, v13;
	v16 =	vld [tilespmem:s31+$0x78E0]  }
0x151: {  	v19 =	vld [tilespmem:s31+$0x98E0]  }
0x152: {  	[tilespmem:s31+$0xB800] =	vst.add.f32.msk $0xffff, v4;
	v4 =	vadd.f32 v17, v14  }
0x153: {  	[tilespmem:s31+$0xB810] =	vst.add.f32.msk $0xffff, v5  }
0x154: {  	[tilespmem:s31+$0xB820] =	vst.add.f32.msk $0xffff, v3;
	v3 =	vadd.f32 v18, v15  }
0x155: {  	[tilespmem:s31+$0xB830] =	vst.add.f32.msk $0xffff, v2  }
0x156: {  	[tilespmem:s31+$0xB840] =	vst.add.f32.msk $0xffff, v7;
	v2 =	vadd.f32 v19, v16  }
0x157: {  	[tilespmem:s31+$0xB850] =	vst.add.f32.msk $0xffff, v9  }
0x158: {  	[tilespmem:s31+$0xB860] =	vst.add.f32.msk $0xffff, v6  }
0x159: {  	[tilespmem:s31+$0xB870] =	vst.add.f32.msk $0xffff, v8  }
0x15a: {  	[tilespmem:s31+$0xB880] =	vst.add.f32.msk $0xffff, v10  }
0x15b: {  	[tilespmem:s31+$0xB890] =	vst.add.f32.msk $0xffff, v11  }
0x15c: {  	[tilespmem:s31+$0xB8A0] =	vst.add.f32.msk $0xffff, v12  }
.Ltmp3:
0x15d: {  	[tilespmem:s31+$0xB8B0] =	vst.add.f32.msk $0xffff, v13;
	(pc) =	sbr.rel @p0 .LBB2_9-.Ltmp3, $4  }
0x15e: {  	[tilespmem:s31+$0xB8C0] =	vst.add.f32.msk $0xffff, v4  }
0x15f: {  	[tilespmem:s31+$0xB8D0] =	vst.add.f32.msk $0xffff, v3  }
0x160: {  	[tilespmem:s31+$0xB8E0] =	vst.add.f32.msk $0xffff, v2;
	s31 =	sshra.s32 s0, $0x2  }
0x161: {  	s0 =	sadd.s32 $0x400, s0;
	v2 =	vld [tilespmem:s31+$0x78F0]  }
0x162: {  	v3 =	vld [tilespmem:s31+$0x98F0]  }
0x163: {  	v4 =	vld [tilespmem:s31+$0x7800]  }
0x164: {  	v5 =	vld [tilespmem:s31+$0x9800]  }
0x165: {  	v6 =	vld [tilespmem:s31+$0x7810]  }
0x166: {  	v7 =	vld [tilespmem:s31+$0x9810]  }
0x167: {  	v8 =	vld [tilespmem:s31+$0x7820]  }
0x168: {  	v9 =	vld [tilespmem:s31+$0x9830]  }
0x169: {  	v10 =	vld [tilespmem:s31+$0x7840]  }
0x16a: {  	v11 =	vld [tilespmem:s31+$0x9840]  }
0x16b: {  	v12 =	vld [tilespmem:s31+$0x7850]  }
0x16c: {  	v13 =	vld [tilespmem:s31+$0x9850]  }
0x16d: {  	v14 =	vld [tilespmem:s31+$0x7860]  }
0x16e: {  	v15 =	vld [tilespmem:s31+$0x9860]  }
0x16f: {  	v16 =	vld [tilespmem:s31+$0x7870]  }
0x170: {  	v17 =	vld [tilespmem:s31+$0x9870]  }
0x171: {  	v18 =	vld [tilespmem:s31+$0x7880]  }
0x172: {  	v19 =	vld [tilespmem:s31+$0x9880]  }
0x173: {  	v20 =	vld [tilespmem:s31+$0x7890]  }
0x174: {  	v21 =	vld [tilespmem:s31+$0x9890]  }
0x175: {  	v22 =	vld [tilespmem:s31+$0x78A0]  }
0x176: {  	v23 =	vld [tilespmem:s31+$0x98A0]  }
0x177: {  	v24 =	vld [tilespmem:s31+$0x78B0]  }
0x178: {  	v25 =	vld [tilespmem:s31+$0x98B0]  }
0x179: {  	v26 =	vld [tilespmem:s31+$0x78C0]  }
0x17a: {  	v27 =	vld [tilespmem:s31+$0x98C0]  }
0x17b: {  	v28 =	vld [tilespmem:s31+$0x78D0]  }
0x17c: {  	v29 =	vld [tilespmem:s31+$0x98D0]  }
0x17d: {  	v58 =	vld [tilespmem:s31+$0x78E0]  }
0x17e: {  	v59 =	vld [tilespmem:s31+$0x98E0];
	v2 =	vadd.f32 v3, v2  }
0x17f: {  	v3 =	vld [tilespmem:s31+$0x9820]  }
0x180: {  	v4 =	vadd.f32 v5, v4;
	[tilespmem:s31+$0xB8F0] =	vst.add.f32.msk $0xffff, v2  }
0x181: {  	v6 =	vadd.f32 v7, v6;
	v2 =	vld [tilespmem:s31+$0x7830]  }
0x182: {  	v60 =	vadd.f32 v11, v10;
	[tilespmem:s31+$0xB800] =	vst.add.f32.msk $0xffff, v4  }
0x183: {  	v61 =	vadd.f32 v17, v16;
	[tilespmem:s31+$0xB810] =	vst.add.f32.msk $0xffff, v6  }
0x184: {  	v62 =	vadd.f32 v23, v22;
	[tilespmem:s31+$0xB840] =	vst.add.f32.msk $0xffff, v60  }
0x185: {  	v63 =	vadd.f32 v29, v28;
	[tilespmem:s31+$0xB870] =	vst.add.f32.msk $0xffff, v61  }
0x186: {  	[tilespmem:s31+$0xB8A0] =	vst.add.f32.msk $0xffff, v62;
	v3 =	vadd.f32 v3, v8  }
0x187: {  	[tilespmem:s31+$0xB8D0] =	vst.add.f32.msk $0xffff, v63;
	v2 =	vadd.f32 v9, v2  }
0x188: {  	[tilespmem:s31+$0xB820] =	vst.add.f32.msk $0xffff, v3;
	v3 =	vadd.f32 v13, v12  }
0x189: {  	[tilespmem:s31+$0xB830] =	vst.add.f32.msk $0xffff, v2;
	v2 =	vadd.f32 v15, v14  }
0x18a: {  	s30 =	sadd.s32 $0x1, s30;
	[tilespmem:s31+$0xB850] =	vst.add.f32.msk $0xffff, v3;
	v3 =	vadd.f32 v19, v18  }
0x18b: {  	p0 =	sne.s32 s30, $0x19;
	[tilespmem:s31+$0xB860] =	vst.add.f32.msk $0xffff, v2;
	v2 =	vadd.f32 v21, v20  }
.Ltmp4:
0x18c: {  	[tilespmem:s31+$0xB880] =	vst.add.f32.msk $0xffff, v3;
	v3 =	vadd.f32 v25, v24;
	(pc) =	sbr.rel @p0 .LBB2_6-.Ltmp4, $4  }
0x18d: {  	[tilespmem:s31+$0xB890] =	vst.add.f32.msk $0xffff, v2;
	v2 =	vadd.f32 v27, v26  }
0x18e: {  	[tilespmem:s31+$0xB8B0] =	vst.add.f32.msk $0xffff, v3;
	v3 =	vadd.f32 v59, v58  }
0x18f: {  	[tilespmem:s31+$0xB8C0] =	vst.add.f32.msk $0xffff, v2  }
0x190: {  	[tilespmem:s31+$0xB8E0] =	vst.add.f32.msk $0xffff, v3  }
0x191: {  	[hbm4b:s7+s2] =	stream.linear.scatter [tilespmem:s28], [sflag:$0x3], $0x2000, $0x38;
	[tilespmem:$0xD880] =	vst v63  }
0x192: {  	s29 =	sadd.s32 $0x1, s29;
	_ =	swait.ge [sflag:s10], $0x2000  }
0x193: {  	p0 =	sne.s32 s29, s9;
	[sflag:s10] =	ssyncset.done $0x0  }
.Ltmp5:
0x194: {  	[sflag:s10] =	ssyncadd.s32 $0xFFFFE000;
	(pc) =	sbr.rel @p0 .LBB2_1-.Ltmp5, $4  }
0x195: {  	[hbm4b:s8+s2] =	stream.linear.scatter [tilespmem:s12], [sflag:$0x3], $0x80, $0x38;
	[tilespmem:$0xD880] =	vst v63  }
0x196: {  	_ =	swait.ge [sflag:s10], $0x80  }
0x197: {  	[sflag:s10] =	ssyncset.done $0x0  }
0x198: {  	[sflag:s10] =	ssyncadd.s32 $0xFFFFFF80  }
0x199: {  	_ =	sfence.sel $0x180000  }
0x19a: {  	[bflag:$0x0] =	sbarrier.arrive $0xFFFF  }
0x19b: {  	_ =	strace $0x90000047  }
0x19c: {  	s0 =	stileid.u32;
	[bflag:$0x2] =	sbarrier.arrive $0xFFFF  }
0x19d: {  	p0 =	sne.s32 s0, $0x0;
	s0 =	rddreg [dreg:$0x2]  }
0x19e: {  	s0 =	sadd.s32 @!p0 $0x100000, s0  }
0x19f: {  	[sflag:s0] =	ssyncadd.tile.s32 @!p0 $0x1;
	_ =	shalt  }
.Lfunc_end2:
_tile_overlayer_lowered:
.L_overlay_start_2:
0x1a0: {  	(tag) =	ssettag $0x2  }
0x1a1: {  	s0 =	rddreg [dreg:$0x0];
	s2 =	stileid.u32  }
0x1a2: {  	s1 =	rddreg [dreg:$0x1];
	p0 =	sne.s32 s2, $0x0  }
0x1a3: {  	s3 =	rddreg [dreg:$0x2];
	[bflag:$0x3] =	sbarrier.arrive $0xFFFF;
	s2 =	simm.s32 @!p0 $0x1C03  }
0x1a4: {  	[timem:s3], [sflag:s2] =	dma.local @!p0 [hbm:s0], s1  }
0x1a5: {  	s0 =	simm.s32 @!p0 $0x3  }
0x1a6: {  	_ =	swait.ge @!p0 [sflag:s0], s1  }
0x1a7: {  	s1 =	ssub.s32 @!p0 $0x0, s1;
	[sflag:s0] =	ssyncset.done @!p0 $0x0  }
0x1a8: {  	[sflag:s0] =	ssyncadd.s32 @!p0 s1  }
0x1a9: {  	[bflag:$0x3] =	sbarrier.arrive $0xFFFF  }
0x1aa: {  	_ =	shalt  }

</sc_bundles>
